<compile_context>
chip_gen: v7x
topology: tpu7x:2x2x1
jax: 0.10.2.dev20260603
libtpu: 0.0.44.dev20260713+nightly
codegen_flags: <defaults>
</compile_context>

<pallas_src>
import jax
import jax.numpy as jnp
from jax import lax
from jax.experimental import pallas as pl
from jax.experimental.pallas import tpu as pltpu
from jax.experimental.pallas import tpu_sc as plsc

_ROWS, _COLS = 128, 100000


def _probe(x_hbm, o_hbm, spmem, in_sems, out_sems):
    c_ax = lax.axis_index("c")
    s_ax = lax.axis_index("s")

    @pl.when(s_ax == 0)
    def _driver():
        base = c_ax * 8

        def inc(b, slot):
            return pltpu.make_async_copy(
                x_hbm.at[pl.ds((base + b) * 8, 8), :], spmem.at[slot],
                in_sems.at[slot])

        def outc(b, slot):
            return pltpu.make_async_copy(
                spmem.at[slot], o_hbm.at[pl.ds((base + b) * 8, 8), :],
                out_sems.at[slot])

        inc(0, 0).start()
        inc(1, 1).start()
        for b in range(8):
            slot = b % 2
            inc(b, slot).wait()
            outc(b, slot).start()
            if b + 2 < 8:
                outc(b, slot).wait()
                inc(b + 2, slot).start()
        outc(6, 0).wait()
        outc(7, 1).wait()


def kernel(logits):
    f = pl.kernel(
        _probe,
        out_type=jax.ShapeDtypeStruct((_ROWS, _COLS), jnp.float32),
        mesh=plsc.VectorSubcoreMesh(
            core_axis_name="c", subcore_axis_name="s",
            num_cores=2, num_subcores=16),
        scratch_types=[pltpu.VMEM_SHARED((2, 8, _COLS), jnp.float32),
                       pltpu.SemaphoreType.DMA((2,)),
                       pltpu.SemaphoreType.DMA((2,))],
    )
    return f(logits)

# --- scband reference (transcript-rebuilt; emitter-appended) ---
"""Pipeline reference for scband-categorical-activation-79113297592886 (READ-ONLY COPY).

The authoritative reference and input builder live on the scoring server;
editing this copy changes nothing except your own understanding.
"""

import jax, jax.numpy as jnp
import numpy as np

def setup_inputs(seed: int = 0) -> dict:
    key = jax.random.key(seed)
    logits = jax.random.normal(key, (128, 100000), dtype=jnp.float32)
    return {"logits": logits}

def reference(logits):
    # Default path: training=True, temperature=None -> softmax over dim=1
    m = jnp.max(logits, axis=1, keepdims=True)
    e = jnp.exp(logits - m)
    return e / jnp.sum(e, axis=1, keepdims=True)

if __name__ == "__main__":
    import jax
    _d = setup_inputs()
    print(jax.jit(kernel)(*tuple(_d.values())))

</pallas_src>

<mosaic_0001>
#map = affine_map<(d0, d1) -> (0, 0)>
module attributes {stable_mosaic.version = 14 : i64} {
  func.func @_probe(%arg0: i32, %arg1: i32, %arg2: memref<128x100000xf32, #tpu.memory_space<hbm>>, %arg3: memref<128x100000xf32, #tpu.memory_space<hbm>>, %arg4: memref<2x8x100000xf32, #tpu.memory_space<vmem_shared>>, %arg5: memref<2x!tpu.dma_semaphore, #tpu.memory_space<semaphore_mem>>, %arg6: memref<2x!tpu.dma_semaphore, #tpu.memory_space<semaphore_mem>>) attributes {dimension_semantics = [#tpu.dimension_semantics<core_parallel>, #tpu.dimension_semantics<subcore_parallel>], iteration_bounds = array<i64: 2, 16>, scalar_prefetch = 0 : i64, scratch_operands = 3 : i64, tpu.core_type = #tpu.core_type<sc_vector_subcore>, window_params = [{transform_indices = #map}, {transform_indices = #map}]} {
    %eq3A = arith.constant 0 : i32
    %eq3A_0 = arith.cmpi eq, %arg1, %eq3A : i32
    %convert_element_type3A = arith.extui %eq3A_0 : i1 to i32
    %cond3A = arith.constant 0 : i32
    %cond3A_1 = arith.cmpi ne, %convert_element_type3A, %cond3A : i32
    scf.if %cond3A_1 {
      %mul3A = arith.constant 8 : i32
      %mul3A_2 = arith.muli %arg0, %mul3A : i32
      %add3A = arith.constant 0 : i32
      %add3A_3 = arith.addi %mul3A_2, %add3A : i32
      %mul3A_4 = arith.constant 8 : i32
      %mul3A_5 = arith.muli %add3A_3, %mul3A_4 : i32
      %dma_start3A = arith.constant 0 : i32
      %dma_start3A_6 = arith.constant 0 : i32
      %dma_start3A_7 = tpu.memref_slice %arg5[%dma_start3A_6] : memref<2x!tpu.dma_semaphore, #tpu.memory_space<semaphore_mem>> -> memref<1x!tpu.dma_semaphore, #tpu.memory_space<semaphore_mem>>
      %dma_start3A_8 = tpu.memref_squeeze %dma_start3A_7 : memref<1x!tpu.dma_semaphore, #tpu.memory_space<semaphore_mem>> -> memref<!tpu.dma_semaphore, #tpu.memory_space<semaphore_mem>>
      %dma_start3A_9 = arith.constant 0 : i32
      %dma_start3A_10 = arith.constant 0 : i32
      %dma_start3A_11 = tpu.memref_slice %arg4[%dma_start3A, %dma_start3A_9, %dma_start3A_10] : memref<2x8x100000xf32, #tpu.memory_space<vmem_shared>> -> memref<1x8x100000xf32, #tpu.memory_space<vmem_shared>>
      %dma_start3A_12 = tpu.memref_squeeze %dma_start3A_11 : memref<1x8x100000xf32, #tpu.memory_space<vmem_shared>> -> memref<8x100000xf32, #tpu.memory_space<vmem_shared>>
      %dma_start3A_13 = arith.constant 0 : i32
      %dma_start3A_14 = tpu.memref_slice %arg2[%mul3A_5, %dma_start3A_13] : memref<128x100000xf32, #tpu.memory_space<hbm>> -> memref<8x100000xf32, #tpu.memory_space<hbm>>
      tpu.enqueue_dma source(%dma_start3A_14 : memref<8x100000xf32, #tpu.memory_space<hbm>>) target(%dma_start3A_12 : memref<8x100000xf32, #tpu.memory_space<vmem_shared>>) target_semaphore(%dma_start3A_8 : memref<!tpu.dma_semaphore, #tpu.memory_space<semaphore_mem>>)
      %add3A_15 = arith.constant 1 : i32
      %add3A_16 = arith.addi %mul3A_2, %add3A_15 : i32
      %mul3A_17 = arith.constant 8 : i32
      %mul3A_18 = arith.muli %add3A_16, %mul3A_17 : i32
      %dma_start3A_19 = arith.constant 1 : i32
      %dma_start3A_20 = arith.constant 1 : i32
      %dma_start3A_21 = tpu.memref_slice %arg5[%dma_start3A_20] : memref<2x!tpu.dma_semaphore, #tpu.memory_space<semaphore_mem>> -> memref<1x!tpu.dma_semaphore, #tpu.memory_space<semaphore_mem>>
      %dma_start3A_22 = tpu.memref_squeeze %dma_start3A_21 : memref<1x!tpu.dma_semaphore, #tpu.memory_space<semaphore_mem>> -> memref<!tpu.dma_semaphore, #tpu.memory_space<semaphore_mem>>
      %dma_start3A_23 = arith.constant 0 : i32
      %dma_start3A_24 = arith.constant 0 : i32
      %dma_start3A_25 = tpu.memref_slice %arg4[%dma_start3A_19, %dma_start3A_23, %dma_start3A_24] : memref<2x8x100000xf32, #tpu.memory_space<vmem_shared>> -> memref<1x8x100000xf32, #tpu.memory_space<vmem_shared>>
      %dma_start3A_26 = tpu.memref_squeeze %dma_start3A_25 : memref<1x8x100000xf32, #tpu.memory_space<vmem_shared>> -> memref<8x100000xf32, #tpu.memory_space<vmem_shared>>
      %dma_start3A_27 = arith.constant 0 : i32
      %dma_start3A_28 = tpu.memref_slice %arg2[%mul3A_18, %dma_start3A_27] : memref<128x100000xf32, #tpu.memory_space<hbm>> -> memref<8x100000xf32, #tpu.memory_space<hbm>>
      tpu.enqueue_dma source(%dma_start3A_28 : memref<8x100000xf32, #tpu.memory_space<hbm>>) target(%dma_start3A_26 : memref<8x100000xf32, #tpu.memory_space<vmem_shared>>) target_semaphore(%dma_start3A_22 : memref<!tpu.dma_semaphore, #tpu.memory_space<semaphore_mem>>)
      %add3A_29 = arith.constant 0 : i32
      %add3A_30 = arith.addi %mul3A_2, %add3A_29 : i32
      %mul3A_31 = arith.constant 8 : i32
      %mul3A_32 = arith.muli %add3A_30, %mul3A_31 : i32
      %dma_wait3A = arith.constant 0 : i32
      %dma_wait3A_33 = arith.constant 0 : i32
      %dma_wait3A_34 = tpu.memref_slice %arg5[%dma_wait3A_33] : memref<2x!tpu.dma_semaphore, #tpu.memory_space<semaphore_mem>> -> memref<1x!tpu.dma_semaphore, #tpu.memory_space<semaphore_mem>>
      %dma_wait3A_35 = tpu.memref_squeeze %dma_wait3A_34 : memref<1x!tpu.dma_semaphore, #tpu.memory_space<semaphore_mem>> -> memref<!tpu.dma_semaphore, #tpu.memory_space<semaphore_mem>>
      %dma_wait3A_36 = arith.constant 0 : i32
      %dma_wait3A_37 = arith.constant 0 : i32
      %dma_wait3A_38 = tpu.memref_slice %arg4[%dma_wait3A, %dma_wait3A_36, %dma_wait3A_37] : memref<2x8x100000xf32, #tpu.memory_space<vmem_shared>> -> memref<1x8x100000xf32, #tpu.memory_space<vmem_shared>>
      %dma_wait3A_39 = tpu.memref_squeeze %dma_wait3A_38 : memref<1x8x100000xf32, #tpu.memory_space<vmem_shared>> -> memref<8x100000xf32, #tpu.memory_space<vmem_shared>>
      %dma_wait3A_40 = arith.constant 0 : i32
      %dma_wait3A_41 = tpu.memref_slice %arg2[%mul3A_32, %dma_wait3A_40] : memref<128x100000xf32, #tpu.memory_space<hbm>> -> memref<8x100000xf32, #tpu.memory_space<hbm>>
      tpu.wait_dma2 semaphore(%dma_wait3A_35 : memref<!tpu.dma_semaphore, #tpu.memory_space<semaphore_mem>>) src(%dma_wait3A_41 : memref<8x100000xf32, #tpu.memory_space<hbm>>) dst(%dma_wait3A_39 : memref<8x100000xf32, #tpu.memory_space<vmem_shared>>)
      %add3A_42 = arith.constant 0 : i32
      %add3A_43 = arith.addi %mul3A_2, %add3A_42 : i32
      %mul3A_44 = arith.constant 8 : i32
      %mul3A_45 = arith.muli %add3A_43, %mul3A_44 : i32
      %dma_start3A_46 = arith.constant 0 : i32
      %dma_start3A_47 = arith.constant 0 : i32
      %dma_start3A_48 = tpu.memref_slice %arg6[%dma_start3A_47] : memref<2x!tpu.dma_semaphore, #tpu.memory_space<semaphore_mem>> -> memref<1x!tpu.dma_semaphore, #tpu.memory_space<semaphore_mem>>
      %dma_start3A_49 = tpu.memref_squeeze %dma_start3A_48 : memref<1x!tpu.dma_semaphore, #tpu.memory_space<semaphore_mem>> -> memref<!tpu.dma_semaphore, #tpu.memory_space<semaphore_mem>>
      %dma_start3A_50 = arith.constant 0 : i32
      %dma_start3A_51 = tpu.memref_slice %arg3[%mul3A_45, %dma_start3A_50] : memref<128x100000xf32, #tpu.memory_space<hbm>> -> memref<8x100000xf32, #tpu.memory_space<hbm>>
      %dma_start3A_52 = arith.constant 0 : i32
      %dma_start3A_53 = arith.constant 0 : i32
      %dma_start3A_54 = tpu.memref_slice %arg4[%dma_start3A_46, %dma_start3A_52, %dma_start3A_53] : memref<2x8x100000xf32, #tpu.memory_space<vmem_shared>> -> memref<1x8x100000xf32, #tpu.memory_space<vmem_shared>>
      %dma_start3A_55 = tpu.memref_squeeze %dma_start3A_54 : memref<1x8x100000xf32, #tpu.memory_space<vmem_shared>> -> memref<8x100000xf32, #tpu.memory_space<vmem_shared>>
      tpu.enqueue_dma source(%dma_start3A_55 : memref<8x100000xf32, #tpu.memory_space<vmem_shared>>) target(%dma_start3A_51 : memref<8x100000xf32, #tpu.memory_space<hbm>>) target_semaphore(%dma_start3A_49 : memref<!tpu.dma_semaphore, #tpu.memory_space<semaphore_mem>>)
      %add3A_56 = arith.constant 0 : i32
      %add3A_57 = arith.addi %mul3A_2, %add3A_56 : i32
      %mul3A_58 = arith.constant 8 : i32
      %mul3A_59 = arith.muli %add3A_57, %mul3A_58 : i32
      %dma_wait3A_60 = arith.constant 0 : i32
      %dma_wait3A_61 = arith.constant 0 : i32
      %dma_wait3A_62 = tpu.memref_slice %arg6[%dma_wait3A_61] : memref<2x!tpu.dma_semaphore, #tpu.memory_space<semaphore_mem>> -> memref<1x!tpu.dma_semaphore, #tpu.memory_space<semaphore_mem>>
      %dma_wait3A_63 = tpu.memref_squeeze %dma_wait3A_62 : memref<1x!tpu.dma_semaphore, #tpu.memory_space<semaphore_mem>> -> memref<!tpu.dma_semaphore, #tpu.memory_space<semaphore_mem>>
      %dma_wait3A_64 = arith.constant 0 : i32
      %dma_wait3A_65 = tpu.memref_slice %arg3[%mul3A_59, %dma_wait3A_64] : memref<128x100000xf32, #tpu.memory_space<hbm>> -> memref<8x100000xf32, #tpu.memory_space<hbm>>
      %dma_wait3A_66 = arith.constant 0 : i32
      %dma_wait3A_67 = arith.constant 0 : i32
      %dma_wait3A_68 = tpu.memref_slice %arg4[%dma_wait3A_60, %dma_wait3A_66, %dma_wait3A_67] : memref<2x8x100000xf32, #tpu.memory_space<vmem_shared>> -> memref<1x8x100000xf32, #tpu.memory_space<vmem_shared>>
      %dma_wait3A_69 = tpu.memref_squeeze %dma_wait3A_68 : memref<1x8x100000xf32, #tpu.memory_space<vmem_shared>> -> memref<8x100000xf32, #tpu.memory_space<vmem_shared>>
      tpu.wait_dma2 semaphore(%dma_wait3A_63 : memref<!tpu.dma_semaphore, #tpu.memory_space<semaphore_mem>>) src(%dma_wait3A_69 : memref<8x100000xf32, #tpu.memory_space<vmem_shared>>) dst(%dma_wait3A_65 : memref<8x100000xf32, #tpu.memory_space<hbm>>)
      %add3A_70 = arith.constant 2 : i32
      %add3A_71 = arith.addi %mul3A_2, %add3A_70 : i32
      %mul3A_72 = arith.constant 8 : i32
      %mul3A_73 = arith.muli %add3A_71, %mul3A_72 : i32
      %dma_start3A_74 = arith.constant 0 : i32
      %dma_start3A_75 = arith.constant 0 : i32
      %dma_start3A_76 = tpu.memref_slice %arg5[%dma_start3A_75] : memref<2x!tpu.dma_semaphore, #tpu.memory_space<semaphore_mem>> -> memref<1x!tpu.dma_semaphore, #tpu.memory_space<semaphore_mem>>
      %dma_start3A_77 = tpu.memref_squeeze %dma_start3A_76 : memref<1x!tpu.dma_semaphore, #tpu.memory_space<semaphore_mem>> -> memref<!tpu.dma_semaphore, #tpu.memory_space<semaphore_mem>>
      %dma_start3A_78 = arith.constant 0 : i32
      %dma_start3A_79 = arith.constant 0 : i32
      %dma_start3A_80 = tpu.memref_slice %arg4[%dma_start3A_74, %dma_start3A_78, %dma_start3A_79] : memref<2x8x100000xf32, #tpu.memory_space<vmem_shared>> -> memref<1x8x100000xf32, #tpu.memory_space<vmem_shared>>
      %dma_start3A_81 = tpu.memref_squeeze %dma_start3A_80 : memref<1x8x100000xf32, #tpu.memory_space<vmem_shared>> -> memref<8x100000xf32, #tpu.memory_space<vmem_shared>>
      %dma_start3A_82 = arith.constant 0 : i32
      %dma_start3A_83 = tpu.memref_slice %arg2[%mul3A_73, %dma_start3A_82] : memref<128x100000xf32, #tpu.memory_space<hbm>> -> memref<8x100000xf32, #tpu.memory_space<hbm>>
      tpu.enqueue_dma source(%dma_start3A_83 : memref<8x100000xf32, #tpu.memory_space<hbm>>) target(%dma_start3A_81 : memref<8x100000xf32, #tpu.memory_space<vmem_shared>>) target_semaphore(%dma_start3A_77 : memref<!tpu.dma_semaphore, #tpu.memory_space<semaphore_mem>>)
      %add3A_84 = arith.constant 1 : i32
      %add3A_85 = arith.addi %mul3A_2, %add3A_84 : i32
      %mul3A_86 = arith.constant 8 : i32
      %mul3A_87 = arith.muli %add3A_85, %mul3A_86 : i32
      %dma_wait3A_88 = arith.constant 1 : i32
      %dma_wait3A_89 = arith.constant 1 : i32
      %dma_wait3A_90 = tpu.memref_slice %arg5[%dma_wait3A_89] : memref<2x!tpu.dma_semaphore, #tpu.memory_space<semaphore_mem>> -> memref<1x!tpu.dma_semaphore, #tpu.memory_space<semaphore_mem>>
      %dma_wait3A_91 = tpu.memref_squeeze %dma_wait3A_90 : memref<1x!tpu.dma_semaphore, #tpu.memory_space<semaphore_mem>> -> memref<!tpu.dma_semaphore, #tpu.memory_space<semaphore_mem>>
      %dma_wait3A_92 = arith.constant 0 : i32
      %dma_wait3A_93 = arith.constant 0 : i32
      %dma_wait3A_94 = tpu.memref_slice %arg4[%dma_wait3A_88, %dma_wait3A_92, %dma_wait3A_93] : memref<2x8x100000xf32, #tpu.memory_space<vmem_shared>> -> memref<1x8x100000xf32, #tpu.memory_space<vmem_shared>>
      %dma_wait3A_95 = tpu.memref_squeeze %dma_wait3A_94 : memref<1x8x100000xf32, #tpu.memory_space<vmem_shared>> -> memref<8x100000xf32, #tpu.memory_space<vmem_shared>>
      %dma_wait3A_96 = arith.constant 0 : i32
      %dma_wait3A_97 = tpu.memref_slice %arg2[%mul3A_87, %dma_wait3A_96] : memref<128x100000xf32, #tpu.memory_space<hbm>> -> memref<8x100000xf32, #tpu.memory_space<hbm>>
      tpu.wait_dma2 semaphore(%dma_wait3A_91 : memref<!tpu.dma_semaphore, #tpu.memory_space<semaphore_mem>>) src(%dma_wait3A_97 : memref<8x100000xf32, #tpu.memory_space<hbm>>) dst(%dma_wait3A_95 : memref<8x100000xf32, #tpu.memory_space<vmem_shared>>)
      %add3A_98 = arith.constant 1 : i32
      %add3A_99 = arith.addi %mul3A_2, %add3A_98 : i32
      %mul3A_100 = arith.constant 8 : i32
      %mul3A_101 = arith.muli %add3A_99, %mul3A_100 : i32
      %dma_start3A_102 = arith.constant 1 : i32
      %dma_start3A_103 = arith.constant 1 : i32
      %dma_start3A_104 = tpu.memref_slice %arg6[%dma_start3A_103] : memref<2x!tpu.dma_semaphore, #tpu.memory_space<semaphore_mem>> -> memref<1x!tpu.dma_semaphore, #tpu.memory_space<semaphore_mem>>
      %dma_start3A_105 = tpu.memref_squeeze %dma_start3A_104 : memref<1x!tpu.dma_semaphore, #tpu.memory_space<semaphore_mem>> -> memref<!tpu.dma_semaphore, #tpu.memory_space<semaphore_mem>>
      %dma_start3A_106 = arith.constant 0 : i32
      %dma_start3A_107 = tpu.memref_slice %arg3[%mul3A_101, %dma_start3A_106] : memref<128x100000xf32, #tpu.memory_space<hbm>> -> memref<8x100000xf32, #tpu.memory_space<hbm>>
      %dma_start3A_108 = arith.constant 0 : i32
      %dma_start3A_109 = arith.constant 0 : i32
      %dma_start3A_110 = tpu.memref_slice %arg4[%dma_start3A_102, %dma_start3A_108, %dma_start3A_109] : memref<2x8x100000xf32, #tpu.memory_space<vmem_shared>> -> memref<1x8x100000xf32, #tpu.memory_space<vmem_shared>>
      %dma_start3A_111 = tpu.memref_squeeze %dma_start3A_110 : memref<1x8x100000xf32, #tpu.memory_space<vmem_shared>> -> memref<8x100000xf32, #tpu.memory_space<vmem_shared>>
      tpu.enqueue_dma source(%dma_start3A_111 : memref<8x100000xf32, #tpu.memory_space<vmem_shared>>) target(%dma_start3A_107 : memref<8x100000xf32, #tpu.memory_space<hbm>>) target_semaphore(%dma_start3A_105 : memref<!tpu.dma_semaphore, #tpu.memory_space<semaphore_mem>>)
      %add3A_112 = arith.constant 1 : i32
      %add3A_113 = arith.addi %mul3A_2, %add3A_112 : i32
      %mul3A_114 = arith.constant 8 : i32
      %mul3A_115 = arith.muli %add3A_113, %mul3A_114 : i32
      %dma_wait3A_116 = arith.constant 1 : i32
      %dma_wait3A_117 = arith.constant 1 : i32
      %dma_wait3A_118 = tpu.memref_slice %arg6[%dma_wait3A_117] : memref<2x!tpu.dma_semaphore, #tpu.memory_space<semaphore_mem>> -> memref<1x!tpu.dma_semaphore, #tpu.memory_space<semaphore_mem>>
      %dma_wait3A_119 = tpu.memref_squeeze %dma_wait3A_118 : memref<1x!tpu.dma_semaphore, #tpu.memory_space<semaphore_mem>> -> memref<!tpu.dma_semaphore, #tpu.memory_space<semaphore_mem>>
      %dma_wait3A_120 = arith.constant 0 : i32
      %dma_wait3A_121 = tpu.memref_slice %arg3[%mul3A_115, %dma_wait3A_120] : memref<128x100000xf32, #tpu.memory_space<hbm>> -> memref<8x100000xf32, #tpu.memory_space<hbm>>
      %dma_wait3A_122 = arith.constant 0 : i32
      %dma_wait3A_123 = arith.constant 0 : i32
      %dma_wait3A_124 = tpu.memref_slice %arg4[%dma_wait3A_116, %dma_wait3A_122, %dma_wait3A_123] : memref<2x8x100000xf32, #tpu.memory_space<vmem_shared>> -> memref<1x8x100000xf32, #tpu.memory_space<vmem_shared>>
      %dma_wait3A_125 = tpu.memref_squeeze %dma_wait3A_124 : memref<1x8x100000xf32, #tpu.memory_space<vmem_shared>> -> memref<8x100000xf32, #tpu.memory_space<vmem_shared>>
      tpu.wait_dma2 semaphore(%dma_wait3A_119 : memref<!tpu.dma_semaphore, #tpu.memory_space<semaphore_mem>>) src(%dma_wait3A_125 : memref<8x100000xf32, #tpu.memory_space<vmem_shared>>) dst(%dma_wait3A_121 : memref<8x100000xf32, #tpu.memory_space<hbm>>)
      %add3A_126 = arith.constant 3 : i32
      %add3A_127 = arith.addi %mul3A_2, %add3A_126 : i32
      %mul3A_128 = arith.constant 8 : i32
      %mul3A_129 = arith.muli %add3A_127, %mul3A_128 : i32
      %dma_start3A_130 = arith.constant 1 : i32
      %dma_start3A_131 = arith.constant 1 : i32
      %dma_start3A_132 = tpu.memref_slice %arg5[%dma_start3A_131] : memref<2x!tpu.dma_semaphore, #tpu.memory_space<semaphore_mem>> -> memref<1x!tpu.dma_semaphore, #tpu.memory_space<semaphore_mem>>
      %dma_start3A_133 = tpu.memref_squeeze %dma_start3A_132 : memref<1x!tpu.dma_semaphore, #tpu.memory_space<semaphore_mem>> -> memref<!tpu.dma_semaphore, #tpu.memory_space<semaphore_mem>>
      %dma_start3A_134 = arith.constant 0 : i32
      %dma_start3A_135 = arith.constant 0 : i32
      %dma_start3A_136 = tpu.memref_slice %arg4[%dma_start3A_130, %dma_start3A_134, %dma_start3A_135] : memref<2x8x100000xf32, #tpu.memory_space<vmem_shared>> -> memref<1x8x100000xf32, #tpu.memory_space<vmem_shared>>
      %dma_start3A_137 = tpu.memref_squeeze %dma_start3A_136 : memref<1x8x100000xf32, #tpu.memory_space<vmem_shared>> -> memref<8x100000xf32, #tpu.memory_space<vmem_shared>>
      %dma_start3A_138 = arith.constant 0 : i32
      %dma_start3A_139 = tpu.memref_slice %arg2[%mul3A_129, %dma_start3A_138] : memref<128x100000xf32, #tpu.memory_space<hbm>> -> memref<8x100000xf32, #tpu.memory_space<hbm>>
      tpu.enqueue_dma source(%dma_start3A_139 : memref<8x100000xf32, #tpu.memory_space<hbm>>) target(%dma_start3A_137 : memref<8x100000xf32, #tpu.memory_space<vmem_shared>>) target_semaphore(%dma_start3A_133 : memref<!tpu.dma_semaphore, #tpu.memory_space<semaphore_mem>>)
      %add3A_140 = arith.constant 2 : i32
      %add3A_141 = arith.addi %mul3A_2, %add3A_140 : i32
      %mul3A_142 = arith.constant 8 : i32
      %mul3A_143 = arith.muli %add3A_141, %mul3A_142 : i32
      %dma_wait3A_144 = arith.constant 0 : i32
      %dma_wait3A_145 = arith.constant 0 : i32
      %dma_wait3A_146 = tpu.memref_slice %arg5[%dma_wait3A_145] : memref<2x!tpu.dma_semaphore, #tpu.memory_space<semaphore_mem>> -> memref<1x!tpu.dma_semaphore, #tpu.memory_space<semaphore_mem>>
      %dma_wait3A_147 = tpu.memref_squeeze %dma_wait3A_146 : memref<1x!tpu.dma_semaphore, #tpu.memory_space<semaphore_mem>> -> memref<!tpu.dma_semaphore, #tpu.memory_space<semaphore_mem>>
      %dma_wait3A_148 = arith.constant 0 : i32
      %dma_wait3A_149 = arith.constant 0 : i32
      %dma_wait3A_150 = tpu.memref_slice %arg4[%dma_wait3A_144, %dma_wait3A_148, %dma_wait3A_149] : memref<2x8x100000xf32, #tpu.memory_space<vmem_shared>> -> memref<1x8x100000xf32, #tpu.memory_space<vmem_shared>>
      %dma_wait3A_151 = tpu.memref_squeeze %dma_wait3A_150 : memref<1x8x100000xf32, #tpu.memory_space<vmem_shared>> -> memref<8x100000xf32, #tpu.memory_space<vmem_shared>>
      %dma_wait3A_152 = arith.constant 0 : i32
      %dma_wait3A_153 = tpu.memref_slice %arg2[%mul3A_143, %dma_wait3A_152] : memref<128x100000xf32, #tpu.memory_space<hbm>> -> memref<8x100000xf32, #tpu.memory_space<hbm>>
      tpu.wait_dma2 semaphore(%dma_wait3A_147 : memref<!tpu.dma_semaphore, #tpu.memory_space<semaphore_mem>>) src(%dma_wait3A_153 : memref<8x100000xf32, #tpu.memory_space<hbm>>) dst(%dma_wait3A_151 : memref<8x100000xf32, #tpu.memory_space<vmem_shared>>)
      %add3A_154 = arith.constant 2 : i32
      %add3A_155 = arith.addi %mul3A_2, %add3A_154 : i32
      %mul3A_156 = arith.constant 8 : i32
      %mul3A_157 = arith.muli %add3A_155, %mul3A_156 : i32
      %dma_start3A_158 = arith.constant 0 : i32
      %dma_start3A_159 = arith.constant 0 : i32
      %dma_start3A_160 = tpu.memref_slice %arg6[%dma_start3A_159] : memref<2x!tpu.dma_semaphore, #tpu.memory_space<semaphore_mem>> -> memref<1x!tpu.dma_semaphore, #tpu.memory_space<semaphore_mem>>
      %dma_start3A_161 = tpu.memref_squeeze %dma_start3A_160 : memref<1x!tpu.dma_semaphore, #tpu.memory_space<semaphore_mem>> -> memref<!tpu.dma_semaphore, #tpu.memory_space<semaphore_mem>>
      %dma_start3A_162 = arith.constant 0 : i32
      %dma_start3A_163 = tpu.memref_slice %arg3[%mul3A_157, %dma_start3A_162] : memref<128x100000xf32, #tpu.memory_space<hbm>> -> memref<8x100000xf32, #tpu.memory_space<hbm>>
      %dma_start3A_164 = arith.constant 0 : i32
      %dma_start3A_165 = arith.constant 0 : i32
      %dma_start3A_166 = tpu.memref_slice %arg4[%dma_start3A_158, %dma_start3A_164, %dma_start3A_165] : memref<2x8x100000xf32, #tpu.memory_space<vmem_shared>> -> memref<1x8x100000xf32, #tpu.memory_space<vmem_shared>>
      %dma_start3A_167 = tpu.memref_squeeze %dma_start3A_166 : memref<1x8x100000xf32, #tpu.memory_space<vmem_shared>> -> memref<8x100000xf32, #tpu.memory_space<vmem_shared>>
      tpu.enqueue_dma source(%dma_start3A_167 : memref<8x100000xf32, #tpu.memory_space<vmem_shared>>) target(%dma_start3A_163 : memref<8x100000xf32, #tpu.memory_space<hbm>>) target_semaphore(%dma_start3A_161 : memref<!tpu.dma_semaphore, #tpu.memory_space<semaphore_mem>>)
      %add3A_168 = arith.constant 2 : i32
      %add3A_169 = arith.addi %mul3A_2, %add3A_168 : i32
      %mul3A_170 = arith.constant 8 : i32
      %mul3A_171 = arith.muli %add3A_169, %mul3A_170 : i32
      %dma_wait3A_172 = arith.constant 0 : i32
      %dma_wait3A_173 = arith.constant 0 : i32
      %dma_wait3A_174 = tpu.memref_slice %arg6[%dma_wait3A_173] : memref<2x!tpu.dma_semaphore, #tpu.memory_space<semaphore_mem>> -> memref<1x!tpu.dma_semaphore, #tpu.memory_space<semaphore_mem>>
      %dma_wait3A_175 = tpu.memref_squeeze %dma_wait3A_174 : memref<1x!tpu.dma_semaphore, #tpu.memory_space<semaphore_mem>> -> memref<!tpu.dma_semaphore, #tpu.memory_space<semaphore_mem>>
      %dma_wait3A_176 = arith.constant 0 : i32
      %dma_wait3A_177 = tpu.memref_slice %arg3[%mul3A_171, %dma_wait3A_176] : memref<128x100000xf32, #tpu.memory_space<hbm>> -> memref<8x100000xf32, #tpu.memory_space<hbm>>
      %dma_wait3A_178 = arith.constant 0 : i32
      %dma_wait3A_179 = arith.constant 0 : i32
      %dma_wait3A_180 = tpu.memref_slice %arg4[%dma_wait3A_172, %dma_wait3A_178, %dma_wait3A_179] : memref<2x8x100000xf32, #tpu.memory_space<vmem_shared>> -> memref<1x8x100000xf32, #tpu.memory_space<vmem_shared>>
      %dma_wait3A_181 = tpu.memref_squeeze %dma_wait3A_180 : memref<1x8x100000xf32, #tpu.memory_space<vmem_shared>> -> memref<8x100000xf32, #tpu.memory_space<vmem_shared>>
      tpu.wait_dma2 semaphore(%dma_wait3A_175 : memref<!tpu.dma_semaphore, #tpu.memory_space<semaphore_mem>>) src(%dma_wait3A_181 : memref<8x100000xf32, #tpu.memory_space<vmem_shared>>) dst(%dma_wait3A_177 : memref<8x100000xf32, #tpu.memory_space<hbm>>)
      %add3A_182 = arith.constant 4 : i32
      %add3A_183 = arith.addi %mul3A_2, %add3A_182 : i32
      %mul3A_184 = arith.constant 8 : i32
      %mul3A_185 = arith.muli %add3A_183, %mul3A_184 : i32
      %dma_start3A_186 = arith.constant 0 : i32
      %dma_start3A_187 = arith.constant 0 : i32
      %dma_start3A_188 = tpu.memref_slice %arg5[%dma_start3A_187] : memref<2x!tpu.dma_semaphore, #tpu.memory_space<semaphore_mem>> -> memref<1x!tpu.dma_semaphore, #tpu.memory_space<semaphore_mem>>
      %dma_start3A_189 = tpu.memref_squeeze %dma_start3A_188 : memref<1x!tpu.dma_semaphore, #tpu.memory_space<semaphore_mem>> -> memref<!tpu.dma_semaphore, #tpu.memory_space<semaphore_mem>>
      %dma_start3A_190 = arith.constant 0 : i32
      %dma_start3A_191 = arith.constant 0 : i32
      %dma_start3A_192 = tpu.memref_slice %arg4[%dma_start3A_186, %dma_start3A_190, %dma_start3A_191] : memref<2x8x100000xf32, #tpu.memory_space<vmem_shared>> -> memref<1x8x100000xf32, #tpu.memory_space<vmem_shared>>
      %dma_start3A_193 = tpu.memref_squeeze %dma_start3A_192 : memref<1x8x100000xf32, #tpu.memory_space<vmem_shared>> -> memref<8x100000xf32, #tpu.memory_space<vmem_shared>>
      %dma_start3A_194 = arith.constant 0 : i32
      %dma_start3A_195 = tpu.memref_slice %arg2[%mul3A_185, %dma_start3A_194] : memref<128x100000xf32, #tpu.memory_space<hbm>> -> memref<8x100000xf32, #tpu.memory_space<hbm>>
      tpu.enqueue_dma source(%dma_start3A_195 : memref<8x100000xf32, #tpu.memory_space<hbm>>) target(%dma_start3A_193 : memref<8x100000xf32, #tpu.memory_space<vmem_shared>>) target_semaphore(%dma_start3A_189 : memref<!tpu.dma_semaphore, #tpu.memory_space<semaphore_mem>>)
      %add3A_196 = arith.constant 3 : i32
      %add3A_197 = arith.addi %mul3A_2, %add3A_196 : i32
      %mul3A_198 = arith.constant 8 : i32
      %mul3A_199 = arith.muli %add3A_197, %mul3A_198 : i32
      %dma_wait3A_200 = arith.constant 1 : i32
      %dma_wait3A_201 = arith.constant 1 : i32
      %dma_wait3A_202 = tpu.memref_slice %arg5[%dma_wait3A_201] : memref<2x!tpu.dma_semaphore, #tpu.memory_space<semaphore_mem>> -> memref<1x!tpu.dma_semaphore, #tpu.memory_space<semaphore_mem>>
      %dma_wait3A_203 = tpu.memref_squeeze %dma_wait3A_202 : memref<1x!tpu.dma_semaphore, #tpu.memory_space<semaphore_mem>> -> memref<!tpu.dma_semaphore, #tpu.memory_space<semaphore_mem>>
      %dma_wait3A_204 = arith.constant 0 : i32
      %dma_wait3A_205 = arith.constant 0 : i32
      %dma_wait3A_206 = tpu.memref_slice %arg4[%dma_wait3A_200, %dma_wait3A_204, %dma_wait3A_205] : memref<2x8x100000xf32, #tpu.memory_space<vmem_shared>> -> memref<1x8x100000xf32, #tpu.memory_space<vmem_shared>>
      %dma_wait3A_207 = tpu.memref_squeeze %dma_wait3A_206 : memref<1x8x100000xf32, #tpu.memory_space<vmem_shared>> -> memref<8x100000xf32, #tpu.memory_space<vmem_shared>>
      %dma_wait3A_208 = arith.constant 0 : i32
      %dma_wait3A_209 = tpu.memref_slice %arg2[%mul3A_199, %dma_wait3A_208] : memref<128x100000xf32, #tpu.memory_space<hbm>> -> memref<8x100000xf32, #tpu.memory_space<hbm>>
      tpu.wait_dma2 semaphore(%dma_wait3A_203 : memref<!tpu.dma_semaphore, #tpu.memory_space<semaphore_mem>>) src(%dma_wait3A_209 : memref<8x100000xf32, #tpu.memory_space<hbm>>) dst(%dma_wait3A_207 : memref<8x100000xf32, #tpu.memory_space<vmem_shared>>)
      %add3A_210 = arith.constant 3 : i32
      %add3A_211 = arith.addi %mul3A_2, %add3A_210 : i32
      %mul3A_212 = arith.constant 8 : i32
      %mul3A_213 = arith.muli %add3A_211, %mul3A_212 : i32
      %dma_start3A_214 = arith.constant 1 : i32
      %dma_start3A_215 = arith.constant 1 : i32
      %dma_start3A_216 = tpu.memref_slice %arg6[%dma_start3A_215] : memref<2x!tpu.dma_semaphore, #tpu.memory_space<semaphore_mem>> -> memref<1x!tpu.dma_semaphore, #tpu.memory_space<semaphore_mem>>
      %dma_start3A_217 = tpu.memref_squeeze %dma_start3A_216 : memref<1x!tpu.dma_semaphore, #tpu.memory_space<semaphore_mem>> -> memref<!tpu.dma_semaphore, #tpu.memory_space<semaphore_mem>>
      %dma_start3A_218 = arith.constant 0 : i32
      %dma_start3A_219 = tpu.memref_slice %arg3[%mul3A_213, %dma_start3A_218] : memref<128x100000xf32, #tpu.memory_space<hbm>> -> memref<8x100000xf32, #tpu.memory_space<hbm>>
      %dma_start3A_220 = arith.constant 0 : i32
      %dma_start3A_221 = arith.constant 0 : i32
      %dma_start3A_222 = tpu.memref_slice %arg4[%dma_start3A_214, %dma_start3A_220, %dma_start3A_221] : memref<2x8x100000xf32, #tpu.memory_space<vmem_shared>> -> memref<1x8x100000xf32, #tpu.memory_space<vmem_shared>>
      %dma_start3A_223 = tpu.memref_squeeze %dma_start3A_222 : memref<1x8x100000xf32, #tpu.memory_space<vmem_shared>> -> memref<8x100000xf32, #tpu.memory_space<vmem_shared>>
      tpu.enqueue_dma source(%dma_start3A_223 : memref<8x100000xf32, #tpu.memory_space<vmem_shared>>) target(%dma_start3A_219 : memref<8x100000xf32, #tpu.memory_space<hbm>>) target_semaphore(%dma_start3A_217 : memref<!tpu.dma_semaphore, #tpu.memory_space<semaphore_mem>>)
      %add3A_224 = arith.constant 3 : i32
      %add3A_225 = arith.addi %mul3A_2, %add3A_224 : i32
      %mul3A_226 = arith.constant 8 : i32
      %mul3A_227 = arith.muli %add3A_225, %mul3A_226 : i32
      %dma_wait3A_228 = arith.constant 1 : i32
      %dma_wait3A_229 = arith.constant 1 : i32
      %dma_wait3A_230 = tpu.memref_slice %arg6[%dma_wait3A_229] : memref<2x!tpu.dma_semaphore, #tpu.memory_space<semaphore_mem>> -> memref<1x!tpu.dma_semaphore, #tpu.memory_space<semaphore_mem>>
      %dma_wait3A_231 = tpu.memref_squeeze %dma_wait3A_230 : memref<1x!tpu.dma_semaphore, #tpu.memory_space<semaphore_mem>> -> memref<!tpu.dma_semaphore, #tpu.memory_space<semaphore_mem>>
      %dma_wait3A_232 = arith.constant 0 : i32
      %dma_wait3A_233 = tpu.memref_slice %arg3[%mul3A_227, %dma_wait3A_232] : memref<128x100000xf32, #tpu.memory_space<hbm>> -> memref<8x100000xf32, #tpu.memory_space<hbm>>
      %dma_wait3A_234 = arith.constant 0 : i32
      %dma_wait3A_235 = arith.constant 0 : i32
      %dma_wait3A_236 = tpu.memref_slice %arg4[%dma_wait3A_228, %dma_wait3A_234, %dma_wait3A_235] : memref<2x8x100000xf32, #tpu.memory_space<vmem_shared>> -> memref<1x8x100000xf32, #tpu.memory_space<vmem_shared>>
      %dma_wait3A_237 = tpu.memref_squeeze %dma_wait3A_236 : memref<1x8x100000xf32, #tpu.memory_space<vmem_shared>> -> memref<8x100000xf32, #tpu.memory_space<vmem_shared>>
      tpu.wait_dma2 semaphore(%dma_wait3A_231 : memref<!tpu.dma_semaphore, #tpu.memory_space<semaphore_mem>>) src(%dma_wait3A_237 : memref<8x100000xf32, #tpu.memory_space<vmem_shared>>) dst(%dma_wait3A_233 : memref<8x100000xf32, #tpu.memory_space<hbm>>)
      %add3A_238 = arith.constant 5 : i32
      %add3A_239 = arith.addi %mul3A_2, %add3A_238 : i32
      %mul3A_240 = arith.constant 8 : i32
      %mul3A_241 = arith.muli %add3A_239, %mul3A_240 : i32
      %dma_start3A_242 = arith.constant 1 : i32
      %dma_start3A_243 = arith.constant 1 : i32
      %dma_start3A_244 = tpu.memref_slice %arg5[%dma_start3A_243] : memref<2x!tpu.dma_semaphore, #tpu.memory_space<semaphore_mem>> -> memref<1x!tpu.dma_semaphore, #tpu.memory_space<semaphore_mem>>
      %dma_start3A_245 = tpu.memref_squeeze %dma_start3A_244 : memref<1x!tpu.dma_semaphore, #tpu.memory_space<semaphore_mem>> -> memref<!tpu.dma_semaphore, #tpu.memory_space<semaphore_mem>>
      %dma_start3A_246 = arith.constant 0 : i32
      %dma_start3A_247 = arith.constant 0 : i32
      %dma_start3A_248 = tpu.memref_slice %arg4[%dma_start3A_242, %dma_start3A_246, %dma_start3A_247] : memref<2x8x100000xf32, #tpu.memory_space<vmem_shared>> -> memref<1x8x100000xf32, #tpu.memory_space<vmem_shared>>
      %dma_start3A_249 = tpu.memref_squeeze %dma_start3A_248 : memref<1x8x100000xf32, #tpu.memory_space<vmem_shared>> -> memref<8x100000xf32, #tpu.memory_space<vmem_shared>>
      %dma_start3A_250 = arith.constant 0 : i32
      %dma_start3A_251 = tpu.memref_slice %arg2[%mul3A_241, %dma_start3A_250] : memref<128x100000xf32, #tpu.memory_space<hbm>> -> memref<8x100000xf32, #tpu.memory_space<hbm>>
      tpu.enqueue_dma source(%dma_start3A_251 : memref<8x100000xf32, #tpu.memory_space<hbm>>) target(%dma_start3A_249 : memref<8x100000xf32, #tpu.memory_space<vmem_shared>>) target_semaphore(%dma_start3A_245 : memref<!tpu.dma_semaphore, #tpu.memory_space<semaphore_mem>>)
      %add3A_252 = arith.constant 4 : i32
      %add3A_253 = arith.addi %mul3A_2, %add3A_252 : i32
      %mul3A_254 = arith.constant 8 : i32
      %mul3A_255 = arith.muli %add3A_253, %mul3A_254 : i32
      %dma_wait3A_256 = arith.constant 0 : i32
      %dma_wait3A_257 = arith.constant 0 : i32
      %dma_wait3A_258 = tpu.memref_slice %arg5[%dma_wait3A_257] : memref<2x!tpu.dma_semaphore, #tpu.memory_space<semaphore_mem>> -> memref<1x!tpu.dma_semaphore, #tpu.memory_space<semaphore_mem>>
      %dma_wait3A_259 = tpu.memref_squeeze %dma_wait3A_258 : memref<1x!tpu.dma_semaphore, #tpu.memory_space<semaphore_mem>> -> memref<!tpu.dma_semaphore, #tpu.memory_space<semaphore_mem>>
      %dma_wait3A_260 = arith.constant 0 : i32
      %dma_wait3A_261 = arith.constant 0 : i32
      %dma_wait3A_262 = tpu.memref_slice %arg4[%dma_wait3A_256, %dma_wait3A_260, %dma_wait3A_261] : memref<2x8x100000xf32, #tpu.memory_space<vmem_shared>> -> memref<1x8x100000xf32, #tpu.memory_space<vmem_shared>>
      %dma_wait3A_263 = tpu.memref_squeeze %dma_wait3A_262 : memref<1x8x100000xf32, #tpu.memory_space<vmem_shared>> -> memref<8x100000xf32, #tpu.memory_space<vmem_shared>>
      %dma_wait3A_264 = arith.constant 0 : i32
      %dma_wait3A_265 = tpu.memref_slice %arg2[%mul3A_255, %dma_wait3A_264] : memref<128x100000xf32, #tpu.memory_space<hbm>> -> memref<8x100000xf32, #tpu.memory_space<hbm>>
      tpu.wait_dma2 semaphore(%dma_wait3A_259 : memref<!tpu.dma_semaphore, #tpu.memory_space<semaphore_mem>>) src(%dma_wait3A_265 : memref<8x100000xf32, #tpu.memory_space<hbm>>) dst(%dma_wait3A_263 : memref<8x100000xf32, #tpu.memory_space<vmem_shared>>)
      %add3A_266 = arith.constant 4 : i32
      %add3A_267 = arith.addi %mul3A_2, %add3A_266 : i32
      %mul3A_268 = arith.constant 8 : i32
      %mul3A_269 = arith.muli %add3A_267, %mul3A_268 : i32
      %dma_start3A_270 = arith.constant 0 : i32
      %dma_start3A_271 = arith.constant 0 : i32
      %dma_start3A_272 = tpu.memref_slice %arg6[%dma_start3A_271] : memref<2x!tpu.dma_semaphore, #tpu.memory_space<semaphore_mem>> -> memref<1x!tpu.dma_semaphore, #tpu.memory_space<semaphore_mem>>
      %dma_start3A_273 = tpu.memref_squeeze %dma_start3A_272 : memref<1x!tpu.dma_semaphore, #tpu.memory_space<semaphore_mem>> -> memref<!tpu.dma_semaphore, #tpu.memory_space<semaphore_mem>>
      %dma_start3A_274 = arith.constant 0 : i32
      %dma_start3A_275 = tpu.memref_slice %arg3[%mul3A_269, %dma_start3A_274] : memref<128x100000xf32, #tpu.memory_space<hbm>> -> memref<8x100000xf32, #tpu.memory_space<hbm>>
      %dma_start3A_276 = arith.constant 0 : i32
      %dma_start3A_277 = arith.constant 0 : i32
      %dma_start3A_278 = tpu.memref_slice %arg4[%dma_start3A_270, %dma_start3A_276, %dma_start3A_277] : memref<2x8x100000xf32, #tpu.memory_space<vmem_shared>> -> memref<1x8x100000xf32, #tpu.memory_space<vmem_shared>>
      %dma_start3A_279 = tpu.memref_squeeze %dma_start3A_278 : memref<1x8x100000xf32, #tpu.memory_space<vmem_shared>> -> memref<8x100000xf32, #tpu.memory_space<vmem_shared>>
      tpu.enqueue_dma source(%dma_start3A_279 : memref<8x100000xf32, #tpu.memory_space<vmem_shared>>) target(%dma_start3A_275 : memref<8x100000xf32, #tpu.memory_space<hbm>>) target_semaphore(%dma_start3A_273 : memref<!tpu.dma_semaphore, #tpu.memory_space<semaphore_mem>>)
      %add3A_280 = arith.constant 4 : i32
      %add3A_281 = arith.addi %mul3A_2, %add3A_280 : i32
      %mul3A_282 = arith.constant 8 : i32
      %mul3A_283 = arith.muli %add3A_281, %mul3A_282 : i32
      %dma_wait3A_284 = arith.constant 0 : i32
      %dma_wait3A_285 = arith.constant 0 : i32
      %dma_wait3A_286 = tpu.memref_slice %arg6[%dma_wait3A_285] : memref<2x!tpu.dma_semaphore, #tpu.memory_space<semaphore_mem>> -> memref<1x!tpu.dma_semaphore, #tpu.memory_space<semaphore_mem>>
      %dma_wait3A_287 = tpu.memref_squeeze %dma_wait3A_286 : memref<1x!tpu.dma_semaphore, #tpu.memory_space<semaphore_mem>> -> memref<!tpu.dma_semaphore, #tpu.memory_space<semaphore_mem>>
      %dma_wait3A_288 = arith.constant 0 : i32
      %dma_wait3A_289 = tpu.memref_slice %arg3[%mul3A_283, %dma_wait3A_288] : memref<128x100000xf32, #tpu.memory_space<hbm>> -> memref<8x100000xf32, #tpu.memory_space<hbm>>
      %dma_wait3A_290 = arith.constant 0 : i32
      %dma_wait3A_291 = arith.constant 0 : i32
      %dma_wait3A_292 = tpu.memref_slice %arg4[%dma_wait3A_284, %dma_wait3A_290, %dma_wait3A_291] : memref<2x8x100000xf32, #tpu.memory_space<vmem_shared>> -> memref<1x8x100000xf32, #tpu.memory_space<vmem_shared>>
      %dma_wait3A_293 = tpu.memref_squeeze %dma_wait3A_292 : memref<1x8x100000xf32, #tpu.memory_space<vmem_shared>> -> memref<8x100000xf32, #tpu.memory_space<vmem_shared>>
      tpu.wait_dma2 semaphore(%dma_wait3A_287 : memref<!tpu.dma_semaphore, #tpu.memory_space<semaphore_mem>>) src(%dma_wait3A_293 : memref<8x100000xf32, #tpu.memory_space<vmem_shared>>) dst(%dma_wait3A_289 : memref<8x100000xf32, #tpu.memory_space<hbm>>)
      %add3A_294 = arith.constant 6 : i32
      %add3A_295 = arith.addi %mul3A_2, %add3A_294 : i32
      %mul3A_296 = arith.constant 8 : i32
      %mul3A_297 = arith.muli %add3A_295, %mul3A_296 : i32
      %dma_start3A_298 = arith.constant 0 : i32
      %dma_start3A_299 = arith.constant 0 : i32
      %dma_start3A_300 = tpu.memref_slice %arg5[%dma_start3A_299] : memref<2x!tpu.dma_semaphore, #tpu.memory_space<semaphore_mem>> -> memref<1x!tpu.dma_semaphore, #tpu.memory_space<semaphore_mem>>
      %dma_start3A_301 = tpu.memref_squeeze %dma_start3A_300 : memref<1x!tpu.dma_semaphore, #tpu.memory_space<semaphore_mem>> -> memref<!tpu.dma_semaphore, #tpu.memory_space<semaphore_mem>>
      %dma_start3A_302 = arith.constant 0 : i32
      %dma_start3A_303 = arith.constant 0 : i32
      %dma_start3A_304 = tpu.memref_slice %arg4[%dma_start3A_298, %dma_start3A_302, %dma_start3A_303] : memref<2x8x100000xf32, #tpu.memory_space<vmem_shared>> -> memref<1x8x100000xf32, #tpu.memory_space<vmem_shared>>
      %dma_start3A_305 = tpu.memref_squeeze %dma_start3A_304 : memref<1x8x100000xf32, #tpu.memory_space<vmem_shared>> -> memref<8x100000xf32, #tpu.memory_space<vmem_shared>>
      %dma_start3A_306 = arith.constant 0 : i32
      %dma_start3A_307 = tpu.memref_slice %arg2[%mul3A_297, %dma_start3A_306] : memref<128x100000xf32, #tpu.memory_space<hbm>> -> memref<8x100000xf32, #tpu.memory_space<hbm>>
      tpu.enqueue_dma source(%dma_start3A_307 : memref<8x100000xf32, #tpu.memory_space<hbm>>) target(%dma_start3A_305 : memref<8x100000xf32, #tpu.memory_space<vmem_shared>>) target_semaphore(%dma_start3A_301 : memref<!tpu.dma_semaphore, #tpu.memory_space<semaphore_mem>>)
      %add3A_308 = arith.constant 5 : i32
      %add3A_309 = arith.addi %mul3A_2, %add3A_308 : i32
      %mul3A_310 = arith.constant 8 : i32
      %mul3A_311 = arith.muli %add3A_309, %mul3A_310 : i32
      %dma_wait3A_312 = arith.constant 1 : i32
      %dma_wait3A_313 = arith.constant 1 : i32
      %dma_wait3A_314 = tpu.memref_slice %arg5[%dma_wait3A_313] : memref<2x!tpu.dma_semaphore, #tpu.memory_space<semaphore_mem>> -> memref<1x!tpu.dma_semaphore, #tpu.memory_space<semaphore_mem>>
      %dma_wait3A_315 = tpu.memref_squeeze %dma_wait3A_314 : memref<1x!tpu.dma_semaphore, #tpu.memory_space<semaphore_mem>> -> memref<!tpu.dma_semaphore, #tpu.memory_space<semaphore_mem>>
      %dma_wait3A_316 = arith.constant 0 : i32
      %dma_wait3A_317 = arith.constant 0 : i32
      %dma_wait3A_318 = tpu.memref_slice %arg4[%dma_wait3A_312, %dma_wait3A_316, %dma_wait3A_317] : memref<2x8x100000xf32, #tpu.memory_space<vmem_shared>> -> memref<1x8x100000xf32, #tpu.memory_space<vmem_shared>>
      %dma_wait3A_319 = tpu.memref_squeeze %dma_wait3A_318 : memref<1x8x100000xf32, #tpu.memory_space<vmem_shared>> -> memref<8x100000xf32, #tpu.memory_space<vmem_shared>>
      %dma_wait3A_320 = arith.constant 0 : i32
      %dma_wait3A_321 = tpu.memref_slice %arg2[%mul3A_311, %dma_wait3A_320] : memref<128x100000xf32, #tpu.memory_space<hbm>> -> memref<8x100000xf32, #tpu.memory_space<hbm>>
      tpu.wait_dma2 semaphore(%dma_wait3A_315 : memref<!tpu.dma_semaphore, #tpu.memory_space<semaphore_mem>>) src(%dma_wait3A_321 : memref<8x100000xf32, #tpu.memory_space<hbm>>) dst(%dma_wait3A_319 : memref<8x100000xf32, #tpu.memory_space<vmem_shared>>)
      %add3A_322 = arith.constant 5 : i32
      %add3A_323 = arith.addi %mul3A_2, %add3A_322 : i32
      %mul3A_324 = arith.constant 8 : i32
      %mul3A_325 = arith.muli %add3A_323, %mul3A_324 : i32
      %dma_start3A_326 = arith.constant 1 : i32
      %dma_start3A_327 = arith.constant 1 : i32
      %dma_start3A_328 = tpu.memref_slice %arg6[%dma_start3A_327] : memref<2x!tpu.dma_semaphore, #tpu.memory_space<semaphore_mem>> -> memref<1x!tpu.dma_semaphore, #tpu.memory_space<semaphore_mem>>
      %dma_start3A_329 = tpu.memref_squeeze %dma_start3A_328 : memref<1x!tpu.dma_semaphore, #tpu.memory_space<semaphore_mem>> -> memref<!tpu.dma_semaphore, #tpu.memory_space<semaphore_mem>>
      %dma_start3A_330 = arith.constant 0 : i32
      %dma_start3A_331 = tpu.memref_slice %arg3[%mul3A_325, %dma_start3A_330] : memref<128x100000xf32, #tpu.memory_space<hbm>> -> memref<8x100000xf32, #tpu.memory_space<hbm>>
      %dma_start3A_332 = arith.constant 0 : i32
      %dma_start3A_333 = arith.constant 0 : i32
      %dma_start3A_334 = tpu.memref_slice %arg4[%dma_start3A_326, %dma_start3A_332, %dma_start3A_333] : memref<2x8x100000xf32, #tpu.memory_space<vmem_shared>> -> memref<1x8x100000xf32, #tpu.memory_space<vmem_shared>>
      %dma_start3A_335 = tpu.memref_squeeze %dma_start3A_334 : memref<1x8x100000xf32, #tpu.memory_space<vmem_shared>> -> memref<8x100000xf32, #tpu.memory_space<vmem_shared>>
      tpu.enqueue_dma source(%dma_start3A_335 : memref<8x100000xf32, #tpu.memory_space<vmem_shared>>) target(%dma_start3A_331 : memref<8x100000xf32, #tpu.memory_space<hbm>>) target_semaphore(%dma_start3A_329 : memref<!tpu.dma_semaphore, #tpu.memory_space<semaphore_mem>>)
      %add3A_336 = arith.constant 5 : i32
      %add3A_337 = arith.addi %mul3A_2, %add3A_336 : i32
      %mul3A_338 = arith.constant 8 : i32
      %mul3A_339 = arith.muli %add3A_337, %mul3A_338 : i32
      %dma_wait3A_340 = arith.constant 1 : i32
      %dma_wait3A_341 = arith.constant 1 : i32
      %dma_wait3A_342 = tpu.memref_slice %arg6[%dma_wait3A_341] : memref<2x!tpu.dma_semaphore, #tpu.memory_space<semaphore_mem>> -> memref<1x!tpu.dma_semaphore, #tpu.memory_space<semaphore_mem>>
      %dma_wait3A_343 = tpu.memref_squeeze %dma_wait3A_342 : memref<1x!tpu.dma_semaphore, #tpu.memory_space<semaphore_mem>> -> memref<!tpu.dma_semaphore, #tpu.memory_space<semaphore_mem>>
      %dma_wait3A_344 = arith.constant 0 : i32
      %dma_wait3A_345 = tpu.memref_slice %arg3[%mul3A_339, %dma_wait3A_344] : memref<128x100000xf32, #tpu.memory_space<hbm>> -> memref<8x100000xf32, #tpu.memory_space<hbm>>
      %dma_wait3A_346 = arith.constant 0 : i32
      %dma_wait3A_347 = arith.constant 0 : i32
      %dma_wait3A_348 = tpu.memref_slice %arg4[%dma_wait3A_340, %dma_wait3A_346, %dma_wait3A_347] : memref<2x8x100000xf32, #tpu.memory_space<vmem_shared>> -> memref<1x8x100000xf32, #tpu.memory_space<vmem_shared>>
      %dma_wait3A_349 = tpu.memref_squeeze %dma_wait3A_348 : memref<1x8x100000xf32, #tpu.memory_space<vmem_shared>> -> memref<8x100000xf32, #tpu.memory_space<vmem_shared>>
      tpu.wait_dma2 semaphore(%dma_wait3A_343 : memref<!tpu.dma_semaphore, #tpu.memory_space<semaphore_mem>>) src(%dma_wait3A_349 : memref<8x100000xf32, #tpu.memory_space<vmem_shared>>) dst(%dma_wait3A_345 : memref<8x100000xf32, #tpu.memory_space<hbm>>)
      %add3A_350 = arith.constant 7 : i32
      %add3A_351 = arith.addi %mul3A_2, %add3A_350 : i32
      %mul3A_352 = arith.constant 8 : i32
      %mul3A_353 = arith.muli %add3A_351, %mul3A_352 : i32
      %dma_start3A_354 = arith.constant 1 : i32
      %dma_start3A_355 = arith.constant 1 : i32
      %dma_start3A_356 = tpu.memref_slice %arg5[%dma_start3A_355] : memref<2x!tpu.dma_semaphore, #tpu.memory_space<semaphore_mem>> -> memref<1x!tpu.dma_semaphore, #tpu.memory_space<semaphore_mem>>
      %dma_start3A_357 = tpu.memref_squeeze %dma_start3A_356 : memref<1x!tpu.dma_semaphore, #tpu.memory_space<semaphore_mem>> -> memref<!tpu.dma_semaphore, #tpu.memory_space<semaphore_mem>>
      %dma_start3A_358 = arith.constant 0 : i32
      %dma_start3A_359 = arith.constant 0 : i32
      %dma_start3A_360 = tpu.memref_slice %arg4[%dma_start3A_354, %dma_start3A_358, %dma_start3A_359] : memref<2x8x100000xf32, #tpu.memory_space<vmem_shared>> -> memref<1x8x100000xf32, #tpu.memory_space<vmem_shared>>
      %dma_start3A_361 = tpu.memref_squeeze %dma_start3A_360 : memref<1x8x100000xf32, #tpu.memory_space<vmem_shared>> -> memref<8x100000xf32, #tpu.memory_space<vmem_shared>>
      %dma_start3A_362 = arith.constant 0 : i32
      %dma_start3A_363 = tpu.memref_slice %arg2[%mul3A_353, %dma_start3A_362] : memref<128x100000xf32, #tpu.memory_space<hbm>> -> memref<8x100000xf32, #tpu.memory_space<hbm>>
      tpu.enqueue_dma source(%dma_start3A_363 : memref<8x100000xf32, #tpu.memory_space<hbm>>) target(%dma_start3A_361 : memref<8x100000xf32, #tpu.memory_space<vmem_shared>>) target_semaphore(%dma_start3A_357 : memref<!tpu.dma_semaphore, #tpu.memory_space<semaphore_mem>>)
      %add3A_364 = arith.constant 6 : i32
      %add3A_365 = arith.addi %mul3A_2, %add3A_364 : i32
      %mul3A_366 = arith.constant 8 : i32
      %mul3A_367 = arith.muli %add3A_365, %mul3A_366 : i32
      %dma_wait3A_368 = arith.constant 0 : i32
      %dma_wait3A_369 = arith.constant 0 : i32
      %dma_wait3A_370 = tpu.memref_slice %arg5[%dma_wait3A_369] : memref<2x!tpu.dma_semaphore, #tpu.memory_space<semaphore_mem>> -> memref<1x!tpu.dma_semaphore, #tpu.memory_space<semaphore_mem>>
      %dma_wait3A_371 = tpu.memref_squeeze %dma_wait3A_370 : memref<1x!tpu.dma_semaphore, #tpu.memory_space<semaphore_mem>> -> memref<!tpu.dma_semaphore, #tpu.memory_space<semaphore_mem>>
      %dma_wait3A_372 = arith.constant 0 : i32
      %dma_wait3A_373 = arith.constant 0 : i32
      %dma_wait3A_374 = tpu.memref_slice %arg4[%dma_wait3A_368, %dma_wait3A_372, %dma_wait3A_373] : memref<2x8x100000xf32, #tpu.memory_space<vmem_shared>> -> memref<1x8x100000xf32, #tpu.memory_space<vmem_shared>>
      %dma_wait3A_375 = tpu.memref_squeeze %dma_wait3A_374 : memref<1x8x100000xf32, #tpu.memory_space<vmem_shared>> -> memref<8x100000xf32, #tpu.memory_space<vmem_shared>>
      %dma_wait3A_376 = arith.constant 0 : i32
      %dma_wait3A_377 = tpu.memref_slice %arg2[%mul3A_367, %dma_wait3A_376] : memref<128x100000xf32, #tpu.memory_space<hbm>> -> memref<8x100000xf32, #tpu.memory_space<hbm>>
      tpu.wait_dma2 semaphore(%dma_wait3A_371 : memref<!tpu.dma_semaphore, #tpu.memory_space<semaphore_mem>>) src(%dma_wait3A_377 : memref<8x100000xf32, #tpu.memory_space<hbm>>) dst(%dma_wait3A_375 : memref<8x100000xf32, #tpu.memory_space<vmem_shared>>)
      %add3A_378 = arith.constant 6 : i32
      %add3A_379 = arith.addi %mul3A_2, %add3A_378 : i32
      %mul3A_380 = arith.constant 8 : i32
      %mul3A_381 = arith.muli %add3A_379, %mul3A_380 : i32
      %dma_start3A_382 = arith.constant 0 : i32
      %dma_start3A_383 = arith.constant 0 : i32
      %dma_start3A_384 = tpu.memref_slice %arg6[%dma_start3A_383] : memref<2x!tpu.dma_semaphore, #tpu.memory_space<semaphore_mem>> -> memref<1x!tpu.dma_semaphore, #tpu.memory_space<semaphore_mem>>
      %dma_start3A_385 = tpu.memref_squeeze %dma_start3A_384 : memref<1x!tpu.dma_semaphore, #tpu.memory_space<semaphore_mem>> -> memref<!tpu.dma_semaphore, #tpu.memory_space<semaphore_mem>>
      %dma_start3A_386 = arith.constant 0 : i32
      %dma_start3A_387 = tpu.memref_slice %arg3[%mul3A_381, %dma_start3A_386] : memref<128x100000xf32, #tpu.memory_space<hbm>> -> memref<8x100000xf32, #tpu.memory_space<hbm>>
      %dma_start3A_388 = arith.constant 0 : i32
      %dma_start3A_389 = arith.constant 0 : i32
      %dma_start3A_390 = tpu.memref_slice %arg4[%dma_start3A_382, %dma_start3A_388, %dma_start3A_389] : memref<2x8x100000xf32, #tpu.memory_space<vmem_shared>> -> memref<1x8x100000xf32, #tpu.memory_space<vmem_shared>>
      %dma_start3A_391 = tpu.memref_squeeze %dma_start3A_390 : memref<1x8x100000xf32, #tpu.memory_space<vmem_shared>> -> memref<8x100000xf32, #tpu.memory_space<vmem_shared>>
      tpu.enqueue_dma source(%dma_start3A_391 : memref<8x100000xf32, #tpu.memory_space<vmem_shared>>) target(%dma_start3A_387 : memref<8x100000xf32, #tpu.memory_space<hbm>>) target_semaphore(%dma_start3A_385 : memref<!tpu.dma_semaphore, #tpu.memory_space<semaphore_mem>>)
      %add3A_392 = arith.constant 7 : i32
      %add3A_393 = arith.addi %mul3A_2, %add3A_392 : i32
      %mul3A_394 = arith.constant 8 : i32
      %mul3A_395 = arith.muli %add3A_393, %mul3A_394 : i32
      %dma_wait3A_396 = arith.constant 1 : i32
      %dma_wait3A_397 = arith.constant 1 : i32
      %dma_wait3A_398 = tpu.memref_slice %arg5[%dma_wait3A_397] : memref<2x!tpu.dma_semaphore, #tpu.memory_space<semaphore_mem>> -> memref<1x!tpu.dma_semaphore, #tpu.memory_space<semaphore_mem>>
      %dma_wait3A_399 = tpu.memref_squeeze %dma_wait3A_398 : memref<1x!tpu.dma_semaphore, #tpu.memory_space<semaphore_mem>> -> memref<!tpu.dma_semaphore, #tpu.memory_space<semaphore_mem>>
      %dma_wait3A_400 = arith.constant 0 : i32
      %dma_wait3A_401 = arith.constant 0 : i32
      %dma_wait3A_402 = tpu.memref_slice %arg4[%dma_wait3A_396, %dma_wait3A_400, %dma_wait3A_401] : memref<2x8x100000xf32, #tpu.memory_space<vmem_shared>> -> memref<1x8x100000xf32, #tpu.memory_space<vmem_shared>>
      %dma_wait3A_403 = tpu.memref_squeeze %dma_wait3A_402 : memref<1x8x100000xf32, #tpu.memory_space<vmem_shared>> -> memref<8x100000xf32, #tpu.memory_space<vmem_shared>>
      %dma_wait3A_404 = arith.constant 0 : i32
      %dma_wait3A_405 = tpu.memref_slice %arg2[%mul3A_395, %dma_wait3A_404] : memref<128x100000xf32, #tpu.memory_space<hbm>> -> memref<8x100000xf32, #tpu.memory_space<hbm>>
      tpu.wait_dma2 semaphore(%dma_wait3A_399 : memref<!tpu.dma_semaphore, #tpu.memory_space<semaphore_mem>>) src(%dma_wait3A_405 : memref<8x100000xf32, #tpu.memory_space<hbm>>) dst(%dma_wait3A_403 : memref<8x100000xf32, #tpu.memory_space<vmem_shared>>)
      %add3A_406 = arith.constant 7 : i32
      %add3A_407 = arith.addi %mul3A_2, %add3A_406 : i32
      %mul3A_408 = arith.constant 8 : i32
      %mul3A_409 = arith.muli %add3A_407, %mul3A_408 : i32
      %dma_start3A_410 = arith.constant 1 : i32
      %dma_start3A_411 = arith.constant 1 : i32
      %dma_start3A_412 = tpu.memref_slice %arg6[%dma_start3A_411] : memref<2x!tpu.dma_semaphore, #tpu.memory_space<semaphore_mem>> -> memref<1x!tpu.dma_semaphore, #tpu.memory_space<semaphore_mem>>
      %dma_start3A_413 = tpu.memref_squeeze %dma_start3A_412 : memref<1x!tpu.dma_semaphore, #tpu.memory_space<semaphore_mem>> -> memref<!tpu.dma_semaphore, #tpu.memory_space<semaphore_mem>>
      %dma_start3A_414 = arith.constant 0 : i32
      %dma_start3A_415 = tpu.memref_slice %arg3[%mul3A_409, %dma_start3A_414] : memref<128x100000xf32, #tpu.memory_space<hbm>> -> memref<8x100000xf32, #tpu.memory_space<hbm>>
      %dma_start3A_416 = arith.constant 0 : i32
      %dma_start3A_417 = arith.constant 0 : i32
      %dma_start3A_418 = tpu.memref_slice %arg4[%dma_start3A_410, %dma_start3A_416, %dma_start3A_417] : memref<2x8x100000xf32, #tpu.memory_space<vmem_shared>> -> memref<1x8x100000xf32, #tpu.memory_space<vmem_shared>>
      %dma_start3A_419 = tpu.memref_squeeze %dma_start3A_418 : memref<1x8x100000xf32, #tpu.memory_space<vmem_shared>> -> memref<8x100000xf32, #tpu.memory_space<vmem_shared>>
      tpu.enqueue_dma source(%dma_start3A_419 : memref<8x100000xf32, #tpu.memory_space<vmem_shared>>) target(%dma_start3A_415 : memref<8x100000xf32, #tpu.memory_space<hbm>>) target_semaphore(%dma_start3A_413 : memref<!tpu.dma_semaphore, #tpu.memory_space<semaphore_mem>>)
      %add3A_420 = arith.constant 6 : i32
      %add3A_421 = arith.addi %mul3A_2, %add3A_420 : i32
      %mul3A_422 = arith.constant 8 : i32
      %mul3A_423 = arith.muli %add3A_421, %mul3A_422 : i32
      %dma_wait3A_424 = arith.constant 0 : i32
      %dma_wait3A_425 = arith.constant 0 : i32
      %dma_wait3A_426 = tpu.memref_slice %arg6[%dma_wait3A_425] : memref<2x!tpu.dma_semaphore, #tpu.memory_space<semaphore_mem>> -> memref<1x!tpu.dma_semaphore, #tpu.memory_space<semaphore_mem>>
      %dma_wait3A_427 = tpu.memref_squeeze %dma_wait3A_426 : memref<1x!tpu.dma_semaphore, #tpu.memory_space<semaphore_mem>> -> memref<!tpu.dma_semaphore, #tpu.memory_space<semaphore_mem>>
      %dma_wait3A_428 = arith.constant 0 : i32
      %dma_wait3A_429 = tpu.memref_slice %arg3[%mul3A_423, %dma_wait3A_428] : memref<128x100000xf32, #tpu.memory_space<hbm>> -> memref<8x100000xf32, #tpu.memory_space<hbm>>
      %dma_wait3A_430 = arith.constant 0 : i32
      %dma_wait3A_431 = arith.constant 0 : i32
      %dma_wait3A_432 = tpu.memref_slice %arg4[%dma_wait3A_424, %dma_wait3A_430, %dma_wait3A_431] : memref<2x8x100000xf32, #tpu.memory_space<vmem_shared>> -> memref<1x8x100000xf32, #tpu.memory_space<vmem_shared>>
      %dma_wait3A_433 = tpu.memref_squeeze %dma_wait3A_432 : memref<1x8x100000xf32, #tpu.memory_space<vmem_shared>> -> memref<8x100000xf32, #tpu.memory_space<vmem_shared>>
      tpu.wait_dma2 semaphore(%dma_wait3A_427 : memref<!tpu.dma_semaphore, #tpu.memory_space<semaphore_mem>>) src(%dma_wait3A_433 : memref<8x100000xf32, #tpu.memory_space<vmem_shared>>) dst(%dma_wait3A_429 : memref<8x100000xf32, #tpu.memory_space<hbm>>)
      %add3A_434 = arith.constant 7 : i32
      %add3A_435 = arith.addi %mul3A_2, %add3A_434 : i32
      %mul3A_436 = arith.constant 8 : i32
      %mul3A_437 = arith.muli %add3A_435, %mul3A_436 : i32
      %dma_wait3A_438 = arith.constant 1 : i32
      %dma_wait3A_439 = arith.constant 1 : i32
      %dma_wait3A_440 = tpu.memref_slice %arg6[%dma_wait3A_439] : memref<2x!tpu.dma_semaphore, #tpu.memory_space<semaphore_mem>> -> memref<1x!tpu.dma_semaphore, #tpu.memory_space<semaphore_mem>>
      %dma_wait3A_441 = tpu.memref_squeeze %dma_wait3A_440 : memref<1x!tpu.dma_semaphore, #tpu.memory_space<semaphore_mem>> -> memref<!tpu.dma_semaphore, #tpu.memory_space<semaphore_mem>>
      %dma_wait3A_442 = arith.constant 0 : i32
      %dma_wait3A_443 = tpu.memref_slice %arg3[%mul3A_437, %dma_wait3A_442] : memref<128x100000xf32, #tpu.memory_space<hbm>> -> memref<8x100000xf32, #tpu.memory_space<hbm>>
      %dma_wait3A_444 = arith.constant 0 : i32
      %dma_wait3A_445 = arith.constant 0 : i32
      %dma_wait3A_446 = tpu.memref_slice %arg4[%dma_wait3A_438, %dma_wait3A_444, %dma_wait3A_445] : memref<2x8x100000xf32, #tpu.memory_space<vmem_shared>> -> memref<1x8x100000xf32, #tpu.memory_space<vmem_shared>>
      %dma_wait3A_447 = tpu.memref_squeeze %dma_wait3A_446 : memref<1x8x100000xf32, #tpu.memory_space<vmem_shared>> -> memref<8x100000xf32, #tpu.memory_space<vmem_shared>>
      tpu.wait_dma2 semaphore(%dma_wait3A_441 : memref<!tpu.dma_semaphore, #tpu.memory_space<semaphore_mem>>) src(%dma_wait3A_447 : memref<8x100000xf32, #tpu.memory_space<vmem_shared>>) dst(%dma_wait3A_443 : memref<8x100000xf32, #tpu.memory_space<hbm>>)
    } else {
    }
    return
  }
}

</mosaic_0001>

<sc_bundles>
// kernel: kernel.3.cloned.1.call-start
scs
__scs_entry_jumppad:
0x0: {  	(pc) =	sbr.rel $0x88, $3  }
0x1: {  	(tag) =	ssettag $0x0;
	lr =	simm.s32 $0x1  }
0x2: {  	[smem:$0x3FA0] =	sst lr;
	_ =	strace $0xD0000000  }
0x3: {  	_ = 	snop  }
0x4: {  	_ = 	snop  }
0x5: {  	_ = 	snop  }
0x6: {  	_ = 	snop  }
0x7: {  	_ = 	snop  }
__scs_overlays_trampoline_lowered:
0x8: {  	[smem:$0x3FAF] =	sst s0  }
0x9: {  	[smem:$0x3FB0] =	sst s1  }
0xa: {  	[smem:$0x3FB1] =	sst s2  }
0xb: {  	[smem:$0x3FB2] =	sst s3  }
0xc: {  	[smem:$0x3FB3] =	sst s4  }
0xd: {  	[smem:$0x3FB4] =	sst s5  }
0xe: {  	[smem:$0x3FB5] =	sst s6  }
0xf: {  	[smem:$0x3FB6] =	sst s7  }
0x10: {  	[smem:$0x3FB7] =	sst s8  }
0x11: {  	[smem:$0x3FB8] =	sst s9;
	s0 =	simm.s32 @!p0 $0x0  }
0x12: {  	s1 =	sld [smem:$0x3F9E];
	s0 =	simm.s32 @p0 $0x1  }
0x13: {  	[smem:$0x3FB9] =	sst s0;
	s0 =	simm.s32 @!p1 $0x0  }
0x14: {  	s2 =	sld [smem:$0x3F9D];
	s0 =	simm.s32 @p1 $0x1  }
0x15: {  	[smem:$0x3FBA] =	sst s0;
	s0 =	simm.s32 @!p2 $0x0  }
0x16: {  	s3 =	sld [smem:$0x3FDB];
	s0 =	simm.s32 @p2 $0x1  }
0x17: {  	s4 =	simm.s32 $0x1BF5;
	[smem:$0x3FBC] =	sst s0  }
0x18: {  	s0 =	sld [smem:$0x3F9F];
	_ =	swait.ge [sflag:s4], $0x0  }
0x19: {  	s7 =	sld [smem:$0x3FA0]  }
0x1a: {  	s8 =	sadd.s32 $0xFFFFE003, lr  }
0x1b: {  	s9 =	sadd.s32 $0xFFFFFEF7, lr;
	s5 =	simm.s32 $0xFFFFFFFF;
	p2 =	slt.u32 s8, $0xFFFFF086  }
0x1c: {  	p1 =	slt.u32 s9, $0xF7A;
	s5 =	simm.s32 @!p2 $0x0  }
0x1d: {  	s5 =	simm.s32 @p1 $0x1;
	p0 =	seq.s32 s7, s2  }
0x1e: {  	s7 =	smul.u32 @!p0 $0xF7A, s2;
	p2 =	seq.s32 @!p0 s5, $0x0  }
0x1f: {  	s9 =	smul.u32 $0xF7A, s1;
	s8 =	simm.s32 @!p0 $0x1BF5;
	p2 =	por !p2, p0  }
0x20: {  	[sflag:s8] =	ssyncset.s32 @!p0 $0xFFFFF086;
	s6 =	sadd.s32 @!p0 s3, s7;
	s7 =	simm.s32 @!p0 $0x108  }
0x21: {  	s3 =	sadd.s32 s3, s9;
	s6 =	sadd.s32 @!p0 $0x88, s6;
	s7 =	simm.s32 @p2 $0x1082  }
0x22: {  	[simem:s7], [sflag:s8] =	dma.local @!p0 [hbm:s6], $0xF7A  }
0x23: {  	s9 =	sor.u32 $0xD0000000, s2;
	s6 =	simm.s32 $0x108;
	_ =	swait.ge @!p0 [sflag:s8], $0x0  }
0x24: {  	s3 =	sadd.s32 $0x88, s3;
	s6 =	simm.s32 @!p1 $0x1082;
	[sflag:s4] =	ssyncset.s32 $0xFFFFF086  }
0x25: {  	[simem:s6], [sflag:s4] =	dma.local [hbm:s3], $0xF7A  }
0x26: {  	[smem:$0x3FA0] =	sst s1;
	(tag) =	ssettag s2;
	_ =	strace s9  }
0x27: {  	s1 =	sld [smem:$0x3FB0]  }
0x28: {  	s2 =	sld [smem:$0x3FB1]  }
0x29: {  	s4 =	sld [smem:$0x3FB3]  }
0x2a: {  	p0 =	seq.s32 s5, $0x0;
	s5 =	sld [smem:$0x3FB4]  }
0x2b: {  	s6 =	sld [smem:$0x3FB5]  }
0x2c: {  	s7 =	sld [smem:$0x3FB6]  }
0x2d: {  	s3 =	simm.s32 $0x108;
	s8 =	sld [smem:$0x3FB7]  }
0x2e: {  	s3 =	simm.s32 @!p0 $0x1082;
	s9 =	sld [smem:$0x3FB8]  }
0x2f: {  	lr =	sadd.s32 s0, s3;
	s0 =	sld [smem:$0x3FAF]  }
0x30: {  	s3 =	sld [smem:$0x3FB2]  }
0x31: {  	[smem:$0x3FBB] =	sst s10  }
0x32: {  	s10 =	sld [smem:$0x3FB9];
	_ =	sdelay $0x3  }
0x33: {  	p0 =	seq.s32 s10, $0x1;
	s10 =	sld [smem:$0x3FBB];
	_ =	sdelay $0x3  }
0x34: {  	[smem:$0x3FBB] =	sst s10  }
0x35: {  	s10 =	sld [smem:$0x3FBA];
	_ =	sdelay $0x3  }
0x36: {  	p1 =	seq.s32 s10, $0x1;
	s10 =	sld [smem:$0x3FBB];
	_ =	sdelay $0x3  }
0x37: {  	[smem:$0x3FBB] =	sst s10  }
0x38: {  	s10 =	sld [smem:$0x3FBC]  }
0x39: {  	_ = 	snop;
	(pc) =	sbr.ind lr, $3  }
0x3a: {  	_ = 	snop  }
0x3b: {  	_ = 	snop  }
0x3c: {  	p2 =	seq.s32 s10, $0x1;
	s10 =	sld [smem:$0x3FBB]  }
0x3d: {  	_ =	shalt  }
0x3e: {  	_ =	shalt  }
0x3f: {  	_ =	shalt  }
0x40: {  	_ =	shalt  }
0x41: {  	_ =	shalt  }
0x42: {  	_ =	shalt  }
0x43: {  	_ =	shalt  }
0x44: {  	_ =	shalt  }
0x45: {  	_ =	shalt  }
0x46: {  	_ =	shalt  }
0x47: {  	_ =	shalt  }
0x48: {  	_ =	shalt  }
0x49: {  	_ =	shalt  }
0x4a: {  	_ =	shalt  }
0x4b: {  	_ =	shalt  }
0x4c: {  	_ =	shalt  }
0x4d: {  	_ =	shalt  }
0x4e: {  	_ =	shalt  }
0x4f: {  	_ =	shalt  }
0x50: {  	_ =	shalt  }
0x51: {  	_ =	shalt  }
0x52: {  	_ =	shalt  }
0x53: {  	_ =	shalt  }
0x54: {  	_ =	shalt  }
0x55: {  	_ =	shalt  }
0x56: {  	_ =	shalt  }
0x57: {  	_ =	shalt  }
0x58: {  	_ =	shalt  }
0x59: {  	_ =	shalt  }
0x5a: {  	_ =	shalt  }
0x5b: {  	_ =	shalt  }
0x5c: {  	_ =	shalt  }
0x5d: {  	_ =	shalt  }
0x5e: {  	_ =	shalt  }
0x5f: {  	_ =	shalt  }
0x60: {  	_ =	shalt  }
0x61: {  	_ =	shalt  }
0x62: {  	_ =	shalt  }
0x63: {  	_ =	shalt  }
0x64: {  	_ =	shalt  }
0x65: {  	_ =	shalt  }
0x66: {  	_ =	shalt  }
0x67: {  	_ =	shalt  }
0x68: {  	_ =	shalt  }
0x69: {  	_ =	shalt  }
0x6a: {  	_ =	shalt  }
0x6b: {  	_ =	shalt  }
0x6c: {  	_ =	shalt  }
0x6d: {  	_ =	shalt  }
0x6e: {  	_ =	shalt  }
0x6f: {  	_ =	shalt  }
0x70: {  	_ =	shalt  }
0x71: {  	_ =	shalt  }
0x72: {  	_ =	shalt  }
0x73: {  	_ =	shalt  }
0x74: {  	_ =	shalt  }
0x75: {  	_ =	shalt  }
0x76: {  	_ =	shalt  }
0x77: {  	_ =	shalt  }
0x78: {  	_ =	shalt  }
0x79: {  	_ =	shalt  }
0x7a: {  	_ =	shalt  }
0x7b: {  	_ =	shalt  }
0x7c: {  	_ =	shalt  }
0x7d: {  	_ =	shalt  }
0x7e: {  	_ =	shalt  }
0x7f: {  	_ =	shalt  }
0x80: {  	_ =	shalt  }
0x81: {  	_ =	shalt  }
0x82: {  	_ =	shalt  }
0x83: {  	_ =	shalt  }
0x84: {  	_ =	shalt  }
0x85: {  	_ =	shalt  }
0x86: {  	_ =	shalt  }
0x87: {  	_ =	shalt  }
.Lfunc_end0:
.L_simem_size_0:
called_computation_lowered:
.L_overlay_start_0:
0x88: {  	s2 =	sld [smem:$0x3FD9]  }
0x89: {  	s3 =	sld [smem:$0x3FFE];
	_ =	sdelay $0x1  }
0x8a: {  	s1 =	srdreg.scid  }
0x8b: {  	s0 =	sand.u32 $0x1, s1  }
0x8c: {  	s16 =	sshll.u32 s0, $0xA;
	s2 =	sadd.s32 s3, s2  }
0x8d: {  	s2 =	sadd.s32 s2, s16  }
0x8e: {  	[smem:$0x3FC7] =	sst s2  }
0x8f: {  	_ = 	snop  }
0x90: {  	(tm) =	ssettm $0x1  }
0x91: {  	s17 =	sld [smem:$0x3FFB];
	_ =	sdelay $0x3  }
0x92: {  	_ =	strace s17  }
0x93: {  	s2 =	sld [smem:$0x3FFC];
	_ =	sdelay $0x3  }
0x94: {  	_ =	strace s2  }
0x95: {  	s2 =	sld [smem:$0x3FFD];
	_ =	sdelay $0x3  }
0x96: {  	_ =	strace s2  }
0x97: {  	_ =	strace $0x8FFFFFFF  }
0x98: {  	s18 =	sld [smem:$0x3FDB];
	_ =	sdelay $0x1  }
0x99: {  	s19 =	simm.s32 $_scs_section_size  }
0x9a: {  	s4 =	simm.s32 $_size__tile_overlayer_lowered;
	s5 =	simm.s32 $_tile_overlayer_lowered  }
0x9b: {  	s22 =	simm.s32 $0x1BFF;
	s21 =	sshll.u32 s5, $0x1;
	s2 =	sadd.s32 s19, s18  }
0x9c: {  	s6 =	simm.s32 $0x0;
	s20 =	sshll.u32 s4, $0x1;
	s4 =	sadd.s32 s21, s2  }
0x9d: {  	[timem:s6], [sflag:s22] =	dma.local [hbm:s4], s20  }
0x9e: {  	_ =	swait.ge [sflag:s22], s20  }
0x9f: {  	s3 =	ssub.s32 $0x0, s20;
	[sflag:s22] =	ssyncset.done $0x0  }
0xa0: {  	[sflag:s22] =	ssyncadd.s32 s3;
	_ =	sdelay $0x1  }
0xa1: {  	s23 =	simm.s32 $0x1B8B  }
0xa2: {  	_ =	swait.ge [sflag:s23], $0x1  }
0xa3: {  	[sflag:s23] =	ssyncset.done $0x0  }
0xa4: {  	s25 =	simm.s32 $0x1B8E;
	s24 =	sld [smem:$0x3FFE];
	[sflag:s23] =	ssyncadd.s32 $0xFFFFFFFF  }
0xa5: {  	s26 =	simm.s32 $execute0_lowered;
	[smem:$0x3FD2] =	sst s25  }
0xa6: {  	s4 =	sshll.u32 s26, $0x1;
	_ =	strace $0x80000046;
	[dreg:$0x1] =	wrdreg $0xFFFFFFFF  }
0xa7: {  	s28 =	simm.s32 $_size_execute0_lowered;
	s2 =	sadd.s32 s2, s4;
	[dreg:$0x0] =	wrdreg $0x0  }
0xa8: {  	s4 =	sshll.u32 s28, $0x1;
	[dreg:$0x2] =	wrdreg s2  }
0xa9: {  	[dreg:$0x3] =	wrdreg s4  }
0xaa: {  	[dreg:$0x4] =	wrdreg $0xC0  }
0xab: {  	_ =	task [dreg:s6], $0x5FFFF  }
0xac: {  	[dreg:$0x1] =	wrdreg $0xFFFFFFFF  }
0xad: {  	[dreg:$0x0] =	wrdreg $0x60  }
0xae: {  	[dreg:$0x2] =	wrdreg s24  }
0xaf: {  	[dreg:$0x3] =	wrdreg $0x0  }
0xb0: {  	[dreg:$0x4] =	wrdreg $0x9  }
0xb1: {  	_ =	task.clear_ibuf [dreg:s6], $0x5FFFF;
	_ =	strace $0x90000046  }
0xb2: {  	s29 =	simm.s32 $0x9;
	_ =	strace $0x80000048  }
0xb3: {  	_ =	swait.ge [sflag:s29], $0x1  }
0xb4: {  	[sflag:s29] =	ssyncadd.s32 $0xFFFFFFFF  }
0xb5: {  	_ =	strace $0x90000048  }
0xb6: {  	_ =	sfence  }
0xb7: {  	s30 =	sld [smem:$0x0];
	_ =	sdelay $0x2  }
0xb8: {  	s31 =	sshll.u32 s1, $0xD;
	s1 =	sshrl.u32 s1, $0x2  }
0xb9: {  	s3 =	sand.u32 $0x4000, s31;
	s1 =	sadd.s32 s1, s30  }
0xba: {  	s0 =	sor.u32 s3, s0;
	s1 =	sshll.u32 s1, $0x11  }
0xbb: {  	s0 =	sor.u32 s1, s0  }
0xbc: {  	s0 =	sadd.s32 $0x8F2B, s0  }
0xbd: {  	[sflag:s0] =	ssyncadd.remote.s32 $0x1  }
0xbe: {  	_ =	sfence.sel $0xFFFF  }
0xbf: {  	[dreg:$0x0] =	wrdreg $0xFFFFFFFF;
	(pc) =	sbr.abs _section_cstart, $3  }
0xc0: {  	[dreg:$0x1] =	wrdreg $0xFFFFFFFF  }
0xc1: {  	_ =	task.clear_ibuf [dreg:s6], $0x2FFFF;
	_ =	strace $0x9FFFFFFF  }
0xc2: {  	(tm) =	ssettm $0x7FFFFFFF  }
0xc3: {  	_ =	shalt  }
tec
execute0_lowered:
.L_overlay_start_1:
0x0: {  	(tag) =	ssettag $0x1  }
0x1: {  	s3 =	stileid.u32  }
0x2: {  	p0 =	sne.s32 s3, $0x0  }
.Ltmp0:
0x3: {  	_ = 	snop;
	(pc) =	sbr.rel @p0 .LBB2_5-.Ltmp0, $4  }
0x4: {  	s1 =	rddreg [dreg:$0x0]  }
0x5: {  	s8 =	rddreg [dreg:$0x1];
	s2 =	simm.s32 $0x0  }
0x6: {  	[smem:$0x7FF] =	sst s2  }
0x7: {  	s0 =	rddreg [dreg:$0x2];
	_ =	strace $0x80000047  }
0x8: {  	s2 =	srdreg.scid  }
0x9: {  	s2 =	sand.u32 $0x1, s2  }
0xa: {  	s4 =	sadd.s32 $0x400, s1;
	s3 =	smul.u32 $0x61C000, s2  }
0xb: {  	s19 =	sadd.s32 $0x187400, s1;
	s10 =	sadd.s32 $0xC3800, s8;
	s5 =	smul.u32 $0xC3800, s2  }
0xc: {  	s18 =	simm.s32 $0x1C01;
	p1 =	por $0x0, $0x0;
	s13 =	ssub.s32 $0x2, s2  }
0xd: {  	s15 =	sshrl.u32 s13, $0x1;
	s3 =	sshrl.u32 s3, $0x3;
	s24 =	sadd.s32 s19, s5  }
0xe: {  	s31 =	ssub.s32 s13, s15;
	s15 =	simm.s32 $0x1C02;
	s6 =	sadd.s32 $0x18700, s3  }
0xf: {  	s7 =	sadd.s32 $0x30E00, s3;
	s26 =	sadd.s32 $0x49500, s3;
	s29 =	sadd.s32 $0x61C00, s3  }
0x10: {  	s30 =	sadd.s32 $0x7A300, s3;
	s11 =	sadd.s32 $0x92A00, s3;
	s12 =	sadd.s32 $0xAB100, s3  }
0x11: {  	s25 =	sadd.s32 s4, s6;
	s22 =	sadd.s32 s19, s6;
	s20 =	sadd.s32 s19, s7  }
0x12: {  	s16 =	sadd.s32 s19, s26;
	s9 =	sadd.s32 s19, s29;
	s6 =	sadd.s32 s19, s30  }
0x13: {  	s2 =	sadd.s32 s19, s11;
	s1 =	sadd.s32 s19, s12;
	s19 =	smax.u32 s31, $0x1  }
0x14: {  	s13 =	simm.s32 $0x1C03;
	s23 =	sadd.s32 s4, s7;
	p2 =	sne.s32 s19, $0x1  }
.Ltmp1:
0x15: {  	s21 =	sadd.s32 s4, s26;
	s17 =	sadd.s32 s4, s29;
	(pc) =	sbr.rel @!p2 .LBB2_4-.Ltmp1, $4  }
0x16: {  	s14 =	sadd.s32 s4, s30;
	s7 =	sadd.s32 s4, s11;
	s3 =	sadd.s32 s4, s12  }
0x17: {  	s26 =	sadd.s32 s4, s5;
	s4 =	sshrl.u32 s10, $0x3;
	s12 =	simm.s32 $0x1  }
0x18: {  	s5 =	simm.s32 $0x3;
	s10 =	simm.s32 $0x2;
	s11 =	simm.s32 $0x1C04  }
0x19: {  	s28 =	sadd.s32 $0xFFFFFFFF, s19;
	s19 =	sshrl.u32 s8, $0x3;
	s8 =	simm.s32 $0x4  }
0x1a: {  	[spmem:s19], [sflag:s18] =	dma.local [hbm:s26], $0x18700  }
0x1b: {  	[spmem:s4], [sflag:s15] =	dma.local [hbm:s25], $0x18700  }
0x1c: {  	_ =	swait.ge [sflag:s12], $0x18700  }
0x1d: {  	[sflag:s12] =	ssyncset.done $0x0  }
0x1e: {  	[sflag:s12] =	ssyncadd.s32 $0xFFFE7900  }
0x1f: {  	[hbm:s24], [sflag:s13] =	dma.local [spmem:s19], $0x18700  }
0x20: {  	_ =	swait.ge [sflag:s5], $0x18700  }
0x21: {  	[sflag:s5] =	ssyncset.done $0x0  }
0x22: {  	[sflag:s5] =	ssyncadd.s32 $0xFFFE7900  }
0x23: {  	[spmem:s19], [sflag:s18] =	dma.local [hbm:s23], $0x18700  }
0x24: {  	_ =	swait.ge [sflag:s10], $0x18700  }
0x25: {  	[sflag:s10] =	ssyncset.done $0x0  }
0x26: {  	[sflag:s10] =	ssyncadd.s32 $0xFFFE7900  }
0x27: {  	[hbm:s22], [sflag:s11] =	dma.local [spmem:s4], $0x18700  }
0x28: {  	_ =	swait.ge [sflag:s8], $0x18700  }
0x29: {  	[sflag:s8] =	ssyncset.done $0x0  }
0x2a: {  	[sflag:s8] =	ssyncadd.s32 $0xFFFE7900  }
0x2b: {  	[spmem:s4], [sflag:s15] =	dma.local [hbm:s21], $0x18700  }
0x2c: {  	_ =	swait.ge [sflag:s12], $0x18700  }
0x2d: {  	[sflag:s12] =	ssyncset.done $0x0  }
0x2e: {  	[sflag:s12] =	ssyncadd.s32 $0xFFFE7900  }
0x2f: {  	[hbm:s20], [sflag:s13] =	dma.local [spmem:s19], $0x18700  }
0x30: {  	_ =	swait.ge [sflag:s5], $0x18700  }
0x31: {  	[sflag:s5] =	ssyncset.done $0x0  }
0x32: {  	[sflag:s5] =	ssyncadd.s32 $0xFFFE7900  }
0x33: {  	[spmem:s19], [sflag:s18] =	dma.local [hbm:s17], $0x18700  }
0x34: {  	_ =	swait.ge [sflag:s10], $0x18700  }
0x35: {  	[sflag:s10] =	ssyncset.done $0x0  }
0x36: {  	[sflag:s10] =	ssyncadd.s32 $0xFFFE7900  }
0x37: {  	[hbm:s16], [sflag:s11] =	dma.local [spmem:s4], $0x18700  }
0x38: {  	_ =	swait.ge [sflag:s8], $0x18700  }
0x39: {  	[sflag:s8] =	ssyncset.done $0x0  }
0x3a: {  	[sflag:s8] =	ssyncadd.s32 $0xFFFE7900  }
0x3b: {  	[spmem:s4], [sflag:s15] =	dma.local [hbm:s14], $0x18700  }
0x3c: {  	_ =	swait.ge [sflag:s12], $0x18700  }
0x3d: {  	[sflag:s12] =	ssyncset.done $0x0  }
0x3e: {  	[sflag:s12] =	ssyncadd.s32 $0xFFFE7900  }
0x3f: {  	[hbm:s9], [sflag:s13] =	dma.local [spmem:s19], $0x18700  }
0x40: {  	_ =	swait.ge [sflag:s5], $0x18700  }
0x41: {  	[sflag:s5] =	ssyncset.done $0x0  }
0x42: {  	[sflag:s5] =	ssyncadd.s32 $0xFFFE7900  }
0x43: {  	[spmem:s19], [sflag:s18] =	dma.local [hbm:s7], $0x18700  }
0x44: {  	_ =	swait.ge [sflag:s10], $0x18700  }
0x45: {  	[sflag:s10] =	ssyncset.done $0x0  }
0x46: {  	[sflag:s10] =	ssyncadd.s32 $0xFFFE7900  }
0x47: {  	[hbm:s6], [sflag:s11] =	dma.local [spmem:s4], $0x18700  }
0x48: {  	_ =	swait.ge [sflag:s8], $0x18700  }
0x49: {  	[sflag:s8] =	ssyncset.done $0x0  }
0x4a: {  	[sflag:s8] =	ssyncadd.s32 $0xFFFE7900  }
0x4b: {  	[spmem:s4], [sflag:s15] =	dma.local [hbm:s3], $0x18700  }
0x4c: {  	_ =	swait.ge [sflag:s12], $0x18700  }
0x4d: {  	[sflag:s12] =	ssyncset.done $0x0  }
0x4e: {  	[sflag:s12] =	ssyncadd.s32 $0xFFFE7900  }
0x4f: {  	[hbm:s2], [sflag:s13] =	dma.local [spmem:s19], $0x18700  }
0x50: {  	_ =	swait.ge [sflag:s10], $0x18700  }
0x51: {  	[sflag:s10] =	ssyncset.done $0x0  }
0x52: {  	p2 =	sne.s32 s28, $0x1;
	[sflag:s10] =	ssyncadd.s32 $0xFFFE7900  }
0x53: {  	[hbm:s1], [sflag:s11] =	dma.local [spmem:s4], $0x18700  }
.Ltmp2:
0x54: {  	_ =	swait.ge [sflag:s5], $0x18700;
	(pc) =	sbr.rel @!p2 .LBB2_4-.Ltmp2, $4  }
0x55: {  	[sflag:s5] =	ssyncset.done $0x0  }
0x56: {  	[sflag:s5] =	ssyncadd.s32 $0xFFFE7900  }
0x57: {  	_ =	swait.ge [sflag:s8], $0x18700  }
0x58: {  	s28 =	sadd.s32 $0xFFFFFFFF, s28;
	p1 =	por $0x1, $0x1;
	[sflag:s8] =	ssyncset.done $0x0  }
.LBB2_3:
0x59: {  	p2 =	sne.s32 s28, $0x1;
	[sflag:s8] =	ssyncadd.s32 $0xFFFE7900  }
0x5a: {  	[spmem:s19], [sflag:s18] =	dma.local [hbm:s26], $0x18700  }
0x5b: {  	[spmem:s4], [sflag:s15] =	dma.local [hbm:s25], $0x18700  }
0x5c: {  	s28 =	sadd.s32 $0xFFFFFFFF, s28;
	_ =	swait.ge [sflag:s12], $0x18700  }
0x5d: {  	[sflag:s12] =	ssyncset.done $0x0  }
0x5e: {  	[sflag:s12] =	ssyncadd.s32 $0xFFFE7900  }
0x5f: {  	[hbm:s24], [sflag:s13] =	dma.local [spmem:s19], $0x18700  }
0x60: {  	_ =	swait.ge [sflag:s5], $0x18700  }
0x61: {  	[sflag:s5] =	ssyncset.done $0x0  }
0x62: {  	[sflag:s5] =	ssyncadd.s32 $0xFFFE7900  }
0x63: {  	[spmem:s19], [sflag:s18] =	dma.local [hbm:s23], $0x18700  }
0x64: {  	_ =	swait.ge [sflag:s10], $0x18700  }
0x65: {  	[sflag:s10] =	ssyncset.done $0x0  }
0x66: {  	[sflag:s10] =	ssyncadd.s32 $0xFFFE7900  }
0x67: {  	[hbm:s22], [sflag:s11] =	dma.local [spmem:s4], $0x18700  }
0x68: {  	_ =	swait.ge [sflag:s8], $0x18700  }
0x69: {  	[sflag:s8] =	ssyncset.done $0x0  }
0x6a: {  	[sflag:s8] =	ssyncadd.s32 $0xFFFE7900  }
0x6b: {  	[spmem:s4], [sflag:s15] =	dma.local [hbm:s21], $0x18700  }
0x6c: {  	_ =	swait.ge [sflag:s12], $0x18700  }
0x6d: {  	[sflag:s12] =	ssyncset.done $0x0  }
0x6e: {  	[sflag:s12] =	ssyncadd.s32 $0xFFFE7900  }
0x6f: {  	[hbm:s20], [sflag:s13] =	dma.local [spmem:s19], $0x18700  }
0x70: {  	_ =	swait.ge [sflag:s5], $0x18700  }
0x71: {  	[sflag:s5] =	ssyncset.done $0x0  }
0x72: {  	[sflag:s5] =	ssyncadd.s32 $0xFFFE7900  }
0x73: {  	[spmem:s19], [sflag:s18] =	dma.local [hbm:s17], $0x18700  }
0x74: {  	_ =	swait.ge [sflag:s10], $0x18700  }
0x75: {  	[sflag:s10] =	ssyncset.done $0x0  }
0x76: {  	[sflag:s10] =	ssyncadd.s32 $0xFFFE7900  }
0x77: {  	[hbm:s16], [sflag:s11] =	dma.local [spmem:s4], $0x18700  }
0x78: {  	_ =	swait.ge [sflag:s8], $0x18700  }
0x79: {  	[sflag:s8] =	ssyncset.done $0x0  }
0x7a: {  	[sflag:s8] =	ssyncadd.s32 $0xFFFE7900  }
0x7b: {  	[spmem:s4], [sflag:s15] =	dma.local [hbm:s14], $0x18700  }
0x7c: {  	_ =	swait.ge [sflag:s12], $0x18700  }
0x7d: {  	[sflag:s12] =	ssyncset.done $0x0  }
0x7e: {  	[sflag:s12] =	ssyncadd.s32 $0xFFFE7900  }
0x7f: {  	[hbm:s9], [sflag:s13] =	dma.local [spmem:s19], $0x18700  }
0x80: {  	_ =	swait.ge [sflag:s5], $0x18700  }
0x81: {  	[sflag:s5] =	ssyncset.done $0x0  }
0x82: {  	[sflag:s5] =	ssyncadd.s32 $0xFFFE7900  }
0x83: {  	[spmem:s19], [sflag:s18] =	dma.local [hbm:s7], $0x18700  }
0x84: {  	_ =	swait.ge [sflag:s10], $0x18700  }
0x85: {  	[sflag:s10] =	ssyncset.done $0x0  }
0x86: {  	[sflag:s10] =	ssyncadd.s32 $0xFFFE7900  }
0x87: {  	[hbm:s6], [sflag:s11] =	dma.local [spmem:s4], $0x18700  }
0x88: {  	_ =	swait.ge [sflag:s8], $0x18700  }
0x89: {  	[sflag:s8] =	ssyncset.done $0x0  }
0x8a: {  	[sflag:s8] =	ssyncadd.s32 $0xFFFE7900  }
0x8b: {  	[spmem:s4], [sflag:s15] =	dma.local [hbm:s3], $0x18700  }
0x8c: {  	_ =	swait.ge [sflag:s12], $0x18700  }
0x8d: {  	[sflag:s12] =	ssyncset.done $0x0  }
0x8e: {  	[sflag:s12] =	ssyncadd.s32 $0xFFFE7900  }
0x8f: {  	[hbm:s2], [sflag:s13] =	dma.local [spmem:s19], $0x18700  }
0x90: {  	_ =	swait.ge [sflag:s10], $0x18700  }
0x91: {  	[sflag:s10] =	ssyncset.done $0x0  }
0x92: {  	[sflag:s10] =	ssyncadd.s32 $0xFFFE7900  }
0x93: {  	[hbm:s1], [sflag:s11] =	dma.local [spmem:s4], $0x18700  }
.Ltmp3:
0x94: {  	_ =	swait.ge [sflag:s5], $0x18700;
	(pc) =	sbr.rel @p2 .LBB2_3-.Ltmp3, $4  }
0x95: {  	[sflag:s5] =	ssyncset.done $0x0  }
0x96: {  	[sflag:s5] =	ssyncadd.s32 $0xFFFE7900  }
0x97: {  	_ =	swait.ge [sflag:s8], $0x18700  }
0x98: {  	[sflag:s8] =	ssyncset.done $0x0  }
.LBB2_4:
0x99: {  	[sflag:s8] =	ssyncadd.s32 @p1 $0xFFFE7900  }
0x9a: {  	[spmem:s19], [sflag:s18] =	dma.local [hbm:s26], $0x18700  }
0x9b: {  	[spmem:s4], [sflag:s15] =	dma.local [hbm:s25], $0x18700  }
0x9c: {  	_ =	swait.ge [sflag:s12], $0x18700  }
0x9d: {  	[sflag:s12] =	ssyncset.done $0x0  }
0x9e: {  	[sflag:s12] =	ssyncadd.s32 $0xFFFE7900  }
0x9f: {  	[hbm:s24], [sflag:s13] =	dma.local [spmem:s19], $0x18700  }
0xa0: {  	_ =	swait.ge [sflag:s5], $0x18700  }
0xa1: {  	[sflag:s5] =	ssyncset.done $0x0  }
0xa2: {  	[sflag:s5] =	ssyncadd.s32 $0xFFFE7900  }
0xa3: {  	[spmem:s19], [sflag:s18] =	dma.local [hbm:s23], $0x18700  }
0xa4: {  	_ =	swait.ge [sflag:s10], $0x18700  }
0xa5: {  	[sflag:s10] =	ssyncset.done $0x0  }
0xa6: {  	[sflag:s10] =	ssyncadd.s32 $0xFFFE7900  }
0xa7: {  	[hbm:s22], [sflag:s11] =	dma.local [spmem:s4], $0x18700  }
0xa8: {  	_ =	swait.ge [sflag:s8], $0x18700  }
0xa9: {  	[sflag:s8] =	ssyncset.done $0x0  }
0xaa: {  	[sflag:s8] =	ssyncadd.s32 $0xFFFE7900  }
0xab: {  	[spmem:s4], [sflag:s15] =	dma.local [hbm:s21], $0x18700  }
0xac: {  	_ =	swait.ge [sflag:s12], $0x18700  }
0xad: {  	[sflag:s12] =	ssyncset.done $0x0  }
0xae: {  	[sflag:s12] =	ssyncadd.s32 $0xFFFE7900  }
0xaf: {  	[hbm:s20], [sflag:s13] =	dma.local [spmem:s19], $0x18700  }
0xb0: {  	_ =	swait.ge [sflag:s5], $0x18700  }
0xb1: {  	[sflag:s5] =	ssyncset.done $0x0  }
0xb2: {  	[sflag:s5] =	ssyncadd.s32 $0xFFFE7900  }
0xb3: {  	[spmem:s19], [sflag:s18] =	dma.local [hbm:s17], $0x18700  }
0xb4: {  	_ =	swait.ge [sflag:s10], $0x18700  }
0xb5: {  	[sflag:s10] =	ssyncset.done $0x0  }
0xb6: {  	[sflag:s10] =	ssyncadd.s32 $0xFFFE7900  }
0xb7: {  	[hbm:s16], [sflag:s11] =	dma.local [spmem:s4], $0x18700  }
0xb8: {  	_ =	swait.ge [sflag:s8], $0x18700  }
0xb9: {  	[sflag:s8] =	ssyncset.done $0x0  }
0xba: {  	[sflag:s8] =	ssyncadd.s32 $0xFFFE7900  }
0xbb: {  	[spmem:s4], [sflag:s15] =	dma.local [hbm:s14], $0x18700  }
0xbc: {  	_ =	swait.ge [sflag:s12], $0x18700  }
0xbd: {  	[sflag:s12] =	ssyncset.done $0x0  }
0xbe: {  	[sflag:s12] =	ssyncadd.s32 $0xFFFE7900  }
0xbf: {  	[hbm:s9], [sflag:s13] =	dma.local [spmem:s19], $0x18700  }
0xc0: {  	_ =	swait.ge [sflag:s5], $0x18700  }
0xc1: {  	[sflag:s5] =	ssyncset.done $0x0  }
0xc2: {  	[sflag:s5] =	ssyncadd.s32 $0xFFFE7900  }
0xc3: {  	[spmem:s19], [sflag:s18] =	dma.local [hbm:s7], $0x18700  }
0xc4: {  	_ =	swait.ge [sflag:s10], $0x18700  }
0xc5: {  	[sflag:s10] =	ssyncset.done $0x0  }
0xc6: {  	[sflag:s10] =	ssyncadd.s32 $0xFFFE7900  }
0xc7: {  	[hbm:s6], [sflag:s11] =	dma.local [spmem:s4], $0x18700  }
0xc8: {  	_ =	swait.ge [sflag:s8], $0x18700  }
0xc9: {  	[sflag:s8] =	ssyncset.done $0x0  }
0xca: {  	[sflag:s8] =	ssyncadd.s32 $0xFFFE7900  }
0xcb: {  	[spmem:s4], [sflag:s15] =	dma.local [hbm:s3], $0x18700  }
0xcc: {  	_ =	swait.ge [sflag:s12], $0x18700  }
0xcd: {  	[sflag:s12] =	ssyncset.done $0x0  }
0xce: {  	[sflag:s12] =	ssyncadd.s32 $0xFFFE7900  }
0xcf: {  	[hbm:s2], [sflag:s13] =	dma.local [spmem:s19], $0x18700  }
0xd0: {  	_ =	swait.ge [sflag:s10], $0x18700  }
0xd1: {  	[sflag:s10] =	ssyncset.done $0x0  }
0xd2: {  	[sflag:s10] =	ssyncadd.s32 $0xFFFE7900  }
0xd3: {  	[hbm:s1], [sflag:s11] =	dma.local [spmem:s4], $0x18700  }
0xd4: {  	_ =	swait.ge [sflag:s5], $0x18700  }
0xd5: {  	[sflag:s5] =	ssyncset.done $0x0  }
0xd6: {  	[sflag:s5] =	ssyncadd.s32 $0xFFFE7900  }
0xd7: {  	_ =	swait.ge [sflag:s8], $0x18700  }
0xd8: {  	[sflag:s8] =	ssyncset.done $0x0  }
0xd9: {  	[sflag:s8] =	ssyncadd.s32 $0xFFFE7900  }
.LBB2_5:
0xda: {  	_ =	sfence.sel $0x180000  }
0xdb: {  	[bflag:$0x0] =	sbarrier.arrive $0xFFFF  }
0xdc: {  	_ =	strace $0x90000047  }
0xdd: {  	s0 =	sadd.s32 @!p0 $0x100000, s0;
	[bflag:$0x2] =	sbarrier.arrive $0xFFFF  }
0xde: {  	[sflag:s0] =	ssyncadd.tile.s32 @!p0 $0x1;
	_ =	shalt  }
.Lfunc_end2:
_tile_overlayer_lowered:
.L_overlay_start_2:
0xdf: {  	(tag) =	ssettag $0x2  }
0xe0: {  	s0 =	rddreg [dreg:$0x0];
	s2 =	stileid.u32  }
0xe1: {  	s1 =	rddreg [dreg:$0x1];
	p0 =	sne.s32 s2, $0x0  }
0xe2: {  	s3 =	rddreg [dreg:$0x2];
	[bflag:$0x3] =	sbarrier.arrive $0xFFFF;
	s2 =	simm.s32 @!p0 $0x1C05  }
0xe3: {  	[timem:s3], [sflag:s2] =	dma.local @!p0 [hbm:s0], s1  }
0xe4: {  	s0 =	simm.s32 @!p0 $0x5  }
0xe5: {  	_ =	swait.ge @!p0 [sflag:s0], s1  }
0xe6: {  	s1 =	ssub.s32 @!p0 $0x0, s1;
	[sflag:s0] =	ssyncset.done @!p0 $0x0  }
0xe7: {  	[sflag:s0] =	ssyncadd.s32 @!p0 s1  }
0xe8: {  	[bflag:$0x3] =	sbarrier.arrive $0xFFFF  }
0xe9: {  	_ =	shalt  }

</sc_bundles>
